<compile_context>
chip_gen: v7x
topology: tpu7x:2x2x1
jax: 0.10.2.dev20260603
libtpu: 0.0.44.dev20260713+nightly
codegen_flags: <defaults>
</compile_context>

<pallas_src>
import jax
import jax.numpy as jnp
from jax import lax
from jax.experimental import pallas as pl
from jax.experimental.pallas import tpu as pltpu
from jax.experimental.pallas import tpu_sc as plsc

_R = 128
_N = 32768
_L = 16
_NCH = _N // _L
_NWORK = 32
_ROWS_PER = _R // _NWORK
_CAP = _N + _L
_U = 1
_UNROLL = 8


def _splat(x):
    return lax.broadcast(x, (_L,))


def _process_row(row_v, cand_v):
    lane = jnp.arange(_L, dtype=jnp.int32)
    zf = jnp.zeros((_L,), jnp.float32)
    zi = jnp.zeros((_L,), jnp.int32)
    onei = jnp.ones((_L,), jnp.int32)
    neg = jnp.full((_L,), -3.0e38, jnp.float32)

    @plsc.parallel_loop(0, _NCH, step=_U, unroll=_UNROLL,
                        carry=(zi - 1, (neg,) * _U))
    def cpl(i, st):
        ptr_b, accs = st
        new_accs = []
        for u in range(_U):
            v = row_v[pl.ds((i + u) * _L, _L)]
            m = v > (accs[u] - 1.0)
            incl = plsc.cumsum(onei, mask=m)
            plsc.store_scatter(cand_v, [ptr_b + incl], v, mask=m)
            ptr_b = ptr_b + plsc.all_reduce_population_count(m)
            new_accs.append(jnp.maximum(accs[u], v))
        return ptr_b, tuple(new_accs)

    ptr_b, accs = cpl
    acc = accs[0]
    for u in range(1, _U):
        acc = jnp.maximum(acc, accs[u])
    thr_v = _splat(jnp.max(acc)) - 1.0
    plsc.store_scatter(cand_v, [ptr_b + 1 + lane], thr_v - 1.0)
    nch2 = lax.shift_right_logical(jnp.max(ptr_b) + _L, 4)

    def newton(tau_v):
        def nb(i, c2):
            s_acc, c_acc = c2
            v = cand_v[pl.ds(i * _L, _L)]
            m = v > tau_v
            return (s_acc + jnp.where(m, v, zf),
                    c_acc + jnp.where(m, v * 0.0 + 1.0, zf))
        s_acc, c_acc = lax.fori_loop(0, nch2, nb, (zf, zf))
        s_t = _splat(jnp.sum(s_acc))
        c_t = jnp.maximum(_splat(jnp.sum(c_acc)), 1.0)
        return (s_t - 1.0) / c_t

    def w_cond(st):
        tau_v, prev_v, it = st
        return jnp.logical_and(it < 32, jnp.any(tau_v != prev_v))

    def w_body(st):
        tau_v, _, it = st
        return (newton(tau_v), tau_v, it + 1)

    tau0 = newton(thr_v)
    tau_v, _, _ = lax.while_loop(w_cond, w_body, (tau0, thr_v, jnp.int32(0)))

    @plsc.parallel_loop(0, _NCH, step=_U, unroll=_UNROLL)
    def opl(i):
        for u in range(_U):
            v = row_v[pl.ds((i + u) * _L, _L)]
            row_v[pl.ds((i + u) * _L, _L)] = jnp.maximum(v - tau_v, 0.0)


def _body(x_hbm, out_hbm, row_a, row_b, cand_v, sem_ia, sem_ib, sem_oa, sem_ob):
    cid = lax.axis_index("c")
    sid = lax.axis_index("s")
    base = (sid * 2 + cid) * _ROWS_PER
    bufs = (row_a, row_b)
    isems = (sem_ia, sem_ib)
    osems = (sem_oa, sem_ob)

    h_in = [pltpu.async_copy(x_hbm.at[base], row_a, sem_ia)]
    h_out = [None, None]
    for r in range(_ROWS_PER):
        cur = bufs[r % 2]
        if r + 1 < _ROWS_PER:
            if h_out[(r + 1) % 2] is not None:
                h_out[(r + 1) % 2].wait()
                h_out[(r + 1) % 2] = None
            h_in.append(pltpu.async_copy(
                x_hbm.at[base + r + 1], bufs[(r + 1) % 2], isems[(r + 1) % 2]))
        h_in[r].wait()
        _process_row(cur, cand_v)
        h_out[r % 2] = pltpu.async_copy(cur, out_hbm.at[base + r], osems[r % 2])
    for h in h_out:
        if h is not None:
            h.wait()


@jax.jit
def _sparsemax(x):
    fn = pl.kernel(
        _body,
        out_type=jax.ShapeDtypeStruct((_R, _N), jnp.float32),
        mesh=plsc.VectorSubcoreMesh(core_axis_name="c", subcore_axis_name="s"),
        compiler_params=pltpu.CompilerParams(needs_layout_passes=False),
        scratch_types=[
            pltpu.VMEM((_N,), jnp.float32),
            pltpu.VMEM((_N,), jnp.float32),
            pltpu.VMEM((_CAP,), jnp.float32),
            pltpu.SemaphoreType.DMA,
            pltpu.SemaphoreType.DMA,
            pltpu.SemaphoreType.DMA,
            pltpu.SemaphoreType.DMA,
        ],
    )
    return fn(x)


def kernel(inputs):
    return _sparsemax(inputs)

# --- scband reference (transcript-rebuilt; emitter-appended) ---
"""Pipeline reference for scband-sparsegen-lin-17557826306586 (READ-ONLY COPY).

The authoritative reference and input builder live on the scoring server;
editing this copy changes nothing except your own understanding.
"""

import jax, jax.numpy as jnp
import numpy as np

DIM = -1
LAM = 0.0


def setup_inputs(seed: int = 0) -> dict:
    key = jax.random.key(seed)
    inputs = jax.random.normal(key, (128, 32768), dtype=jnp.float32)
    return {"inputs": inputs}


def reference(inputs):
    # Faithful translation of SparsegenLin.forward (dim=-1, lam=0.0)
    x = jnp.swapaxes(inputs, 0, DIM)
    original_size = x.shape
    x = x.reshape(x.shape[0], -1)
    x = x.T  # (batch_like, number_of_logits)
    number_of_logits = x.shape[1]
    x = x - jnp.max(x, axis=1, keepdims=True)
    # descending sort
    zs = -jnp.sort(-x, axis=1)
    ks = jnp.arange(1, number_of_logits + 1, dtype=x.dtype)[None, :]
    bound = 1.0 - LAM + ks * zs
    cumulative_sum_zs = jnp.cumsum(zs, axis=1)
    is_gt = (bound > cumulative_sum_zs).astype(x.dtype)
    k = jnp.max(is_gt * ks, axis=1, keepdims=True)
    zs_sparse = is_gt * zs
    taus = (jnp.sum(zs_sparse, axis=1, keepdims=True) - 1.0 + LAM) / k
    ps = (x - taus) / (1.0 - LAM)
    out = jnp.maximum(jnp.zeros_like(x), ps)
    out = out.T
    out = out.reshape(original_size)
    out = jnp.swapaxes(out, 0, DIM)
    return out

if __name__ == "__main__":
    import jax
    _d = setup_inputs()
    print(jax.jit(kernel)(*tuple(_d.values())))

</pallas_src>

<mosaic_0001>
#map = affine_map<(d0, d1) -> (0, 0)>
module attributes {stable_mosaic.version = 14 : i64} {
  func.func @_body(%arg0: i32, %arg1: i32, %arg2: memref<128x32768xf32, #tpu.memory_space<hbm>>, %arg3: memref<128x32768xf32, #tpu.memory_space<hbm>>, %arg4: memref<32768xf32, #tpu.memory_space<vmem>>, %arg5: memref<32768xf32, #tpu.memory_space<vmem>>, %arg6: memref<32784xf32, #tpu.memory_space<vmem>>, %arg7: memref<!tpu.dma_semaphore, #tpu.memory_space<semaphore_mem>>, %arg8: memref<!tpu.dma_semaphore, #tpu.memory_space<semaphore_mem>>, %arg9: memref<!tpu.dma_semaphore, #tpu.memory_space<semaphore_mem>>, %arg10: memref<!tpu.dma_semaphore, #tpu.memory_space<semaphore_mem>>) attributes {dimension_semantics = [#tpu.dimension_semantics<core_parallel>, #tpu.dimension_semantics<subcore_parallel>], iteration_bounds = array<i64: 2, 16>, scalar_prefetch = 0 : i64, scratch_operands = 7 : i64, tpu.core_type = #tpu.core_type<sc_vector_subcore>, window_params = [{transform_indices = #map}, {transform_indices = #map}]} {
    %mul3A = arith.constant 2 : i32
    %mul3A_0 = arith.muli %arg1, %mul3A : i32
    %add3A = arith.addi %mul3A_0, %arg0 : i32
    %mul3A_1 = arith.constant 4 : i32
    %mul3A_2 = arith.muli %add3A, %mul3A_1 : i32
    %dma_start3A = arith.constant 0 : i32
    %dma_start3A_3 = tpu.memref_slice %arg2[%mul3A_2, %dma_start3A] : memref<128x32768xf32, #tpu.memory_space<hbm>> -> memref<1x32768xf32, #tpu.memory_space<hbm>>
    %dma_start3A_4 = tpu.memref_squeeze %dma_start3A_3 : memref<1x32768xf32, #tpu.memory_space<hbm>> -> memref<32768xf32, #tpu.memory_space<hbm>>
    %dma_start3A_5 = arith.constant 0 : i32
    %dma_start3A_6 = tpu.memref_slice %arg2[%mul3A_2, %dma_start3A_5] : memref<128x32768xf32, #tpu.memory_space<hbm>> -> memref<1x32768xf32, #tpu.memory_space<hbm>>
    %dma_start3A_7 = tpu.memref_squeeze %dma_start3A_6 : memref<1x32768xf32, #tpu.memory_space<hbm>> -> memref<32768xf32, #tpu.memory_space<hbm>>
    tpu.enqueue_dma source(%dma_start3A_7 : memref<32768xf32, #tpu.memory_space<hbm>>) target(%arg4 : memref<32768xf32, #tpu.memory_space<vmem>>) target_semaphore(%arg7 : memref<!tpu.dma_semaphore, #tpu.memory_space<semaphore_mem>>)
    %add3A_8 = arith.constant 0 : i32
    %add3A_9 = arith.addi %mul3A_2, %add3A_8 : i32
    %add3A_10 = arith.constant 1 : i32
    %add3A_11 = arith.addi %add3A_9, %add3A_10 : i32
    %dma_start3A_12 = arith.constant 0 : i32
    %dma_start3A_13 = tpu.memref_slice %arg2[%add3A_11, %dma_start3A_12] : memref<128x32768xf32, #tpu.memory_space<hbm>> -> memref<1x32768xf32, #tpu.memory_space<hbm>>
    %dma_start3A_14 = tpu.memref_squeeze %dma_start3A_13 : memref<1x32768xf32, #tpu.memory_space<hbm>> -> memref<32768xf32, #tpu.memory_space<hbm>>
    %dma_start3A_15 = arith.constant 0 : i32
    %dma_start3A_16 = tpu.memref_slice %arg2[%add3A_11, %dma_start3A_15] : memref<128x32768xf32, #tpu.memory_space<hbm>> -> memref<1x32768xf32, #tpu.memory_space<hbm>>
    %dma_start3A_17 = tpu.memref_squeeze %dma_start3A_16 : memref<1x32768xf32, #tpu.memory_space<hbm>> -> memref<32768xf32, #tpu.memory_space<hbm>>
    tpu.enqueue_dma source(%dma_start3A_17 : memref<32768xf32, #tpu.memory_space<hbm>>) target(%arg5 : memref<32768xf32, #tpu.memory_space<vmem>>) target_semaphore(%arg8 : memref<!tpu.dma_semaphore, #tpu.memory_space<semaphore_mem>>)
    %dma_wait3A = arith.constant 0 : i32
    %dma_wait3A_18 = tpu.memref_slice %arg2[%mul3A_2, %dma_wait3A] : memref<128x32768xf32, #tpu.memory_space<hbm>> -> memref<1x32768xf32, #tpu.memory_space<hbm>>
    %dma_wait3A_19 = tpu.memref_squeeze %dma_wait3A_18 : memref<1x32768xf32, #tpu.memory_space<hbm>> -> memref<32768xf32, #tpu.memory_space<hbm>>
    %dma_wait3A_20 = arith.constant 0 : i32
    %dma_wait3A_21 = tpu.memref_slice %arg2[%mul3A_2, %dma_wait3A_20] : memref<128x32768xf32, #tpu.memory_space<hbm>> -> memref<1x32768xf32, #tpu.memory_space<hbm>>
    %dma_wait3A_22 = tpu.memref_squeeze %dma_wait3A_21 : memref<1x32768xf32, #tpu.memory_space<hbm>> -> memref<32768xf32, #tpu.memory_space<hbm>>
    tpu.wait_dma2 semaphore(%arg7 : memref<!tpu.dma_semaphore, #tpu.memory_space<semaphore_mem>>) src(%dma_wait3A_22 : memref<32768xf32, #tpu.memory_space<hbm>>) dst(%arg4 : memref<32768xf32, #tpu.memory_space<vmem>>)
    %iota3A = tpu.iota {dimensions = array<i32: 0>} : vector<16xi32>
    %broadcast_in_dim3A = arith.constant 0.000000e+00 : f32
    %broadcast_in_dim3A_23 = vector.broadcast %broadcast_in_dim3A : f32 to vector<16xf32>
    %broadcast_in_dim3A_24 = arith.constant 0 : i32
    %broadcast_in_dim3A_25 = vector.broadcast %broadcast_in_dim3A_24 : i32 to vector<16xi32>
    %broadcast_in_dim3A_26 = arith.constant 1 : i32
    %broadcast_in_dim3A_27 = vector.broadcast %broadcast_in_dim3A_26 : i32 to vector<16xi32>
    %broadcast_in_dim3A_28 = arith.constant -3.000000e+38 : f32
    %broadcast_in_dim3A_29 = vector.broadcast %broadcast_in_dim3A_28 : f32 to vector<16xf32>
    %sub3A = arith.constant 1 : i32
    %sub3A_30 = vector.broadcast %sub3A : i32 to vector<16xi32>
    %sub3A_31 = arith.subi %broadcast_in_dim3A_25, %sub3A_30 : vector<16xi32>
    %parallel_loop3A = arith.constant 0 : i32
    %parallel_loop3A_32 = arith.constant 2048 : i32
    %parallel_loop3A_33 = arith.constant 1 : i32
    %parallel_loop3A_34:2 = scf.for %parallel_loop3A_411 = %parallel_loop3A to %parallel_loop3A_32 step %parallel_loop3A_33 iter_args(%parallel_loop3A_412 = %sub3A_31, %parallel_loop3A_413 = %broadcast_in_dim3A_29) -> (vector<16xi32>, vector<16xf32>)  : i32 {
      %parallel_loop3A_414 = arith.constant 0 : i32
      %parallel_loop3A_415 = arith.addi %parallel_loop3A_411, %parallel_loop3A_414 : i32
      %parallel_loop3A_416 = arith.constant 16 : i32
      %parallel_loop3A_417 = arith.muli %parallel_loop3A_415, %parallel_loop3A_416 : i32
      %parallel_loop3A_418 = arith.index_cast %parallel_loop3A_417 : i32 to index
      %parallel_loop3A_419 = tpu.vector_load %arg4[%parallel_loop3A_418] {strides = array<i32>} : memref<32768xf32, #tpu.memory_space<vmem>>, vector<16xf32>,
      %parallel_loop3A_420 = arith.constant 1.000000e+00 : f32
      %parallel_loop3A_421 = vector.broadcast %parallel_loop3A_420 : f32 to vector<16xf32>
      %parallel_loop3A_422 = arith.subf %parallel_loop3A_413, %parallel_loop3A_421 : vector<16xf32>
      %parallel_loop3A_423 = arith.cmpf ogt, %parallel_loop3A_419, %parallel_loop3A_422 : vector<16xf32>
      %parallel_loop3A_424 = tpu.scan <sum>, %broadcast_in_dim3A_27 masked %parallel_loop3A_423 : vector<16xi32>, vector<16xi1> -> vector<16xi32>
      %parallel_loop3A_425 = arith.addi %parallel_loop3A_412, %parallel_loop3A_424 : vector<16xi32>
      tpu.vector_store_idx %arg6[%parallel_loop3A_425], %parallel_loop3A_419 masked %parallel_loop3A_423 : memref<32784xf32, #tpu.memory_space<vmem>>[vector<16xi32>], vector<16xf32>, vector<16xi1>
      %parallel_loop3A_426 = tpu.all_reduce %parallel_loop3A_423 {dim = 0 : i64, kind = #tpu.reduction_kind<sum>} : vector<16xi1> -> vector<16xi32>
      %parallel_loop3A_427 = arith.addi %parallel_loop3A_412, %parallel_loop3A_426 : vector<16xi32>
      %parallel_loop3A_428 = arith.maximumf %parallel_loop3A_413, %parallel_loop3A_419 : vector<16xf32>
      scf.yield %parallel_loop3A_427, %parallel_loop3A_428 : vector<16xi32>, vector<16xf32>
    } {sc.loop_unroll_factor = 8 : i64, sc.parallel_access}
    %reduce_max3A = arith.constant true
    %reduce_max3A_35 = vector.broadcast %reduce_max3A : i1 to vector<16xi1>
    %reduce_max3A_36 = tpu.scan <max>, %parallel_loop3A_34#1 masked %reduce_max3A_35 : vector<16xf32>, vector<16xi1> -> vector<16xf32>
    %reduce_max3A_37 = vector.extract %reduce_max3A_36[15] : f32 from vector<16xf32>
    %broadcast_in_dim3A_38 = vector.broadcast %reduce_max3A_37 : f32 to vector<16xf32>
    %sub3A_39 = arith.constant 1.000000e+00 : f32
    %sub3A_40 = vector.broadcast %sub3A_39 : f32 to vector<16xf32>
    %sub3A_41 = arith.subf %broadcast_in_dim3A_38, %sub3A_40 : vector<16xf32>
    %add3A_42 = arith.constant 1 : i32
    %add3A_43 = vector.broadcast %add3A_42 : i32 to vector<16xi32>
    %add3A_44 = arith.addi %parallel_loop3A_34#0, %add3A_43 : vector<16xi32>
    %add3A_45 = arith.addi %add3A_44, %iota3A : vector<16xi32>
    %sub3A_46 = arith.constant 1.000000e+00 : f32
    %sub3A_47 = vector.broadcast %sub3A_46 : f32 to vector<16xf32>
    %sub3A_48 = arith.subf %sub3A_41, %sub3A_47 : vector<16xf32>
    tpu.vector_store_idx %arg6[%add3A_45], %sub3A_48 : memref<32784xf32, #tpu.memory_space<vmem>>[vector<16xi32>], vector<16xf32>,
    %reduce_max3A_49 = arith.constant true
    %reduce_max3A_50 = vector.broadcast %reduce_max3A_49 : i1 to vector<16xi1>
    %reduce_max3A_51 = arith.constant -2147483648 : i32
    %reduce_max3A_52 = vector.broadcast %reduce_max3A_51 : i32 to vector<16xi32>
    %reduce_max3A_53 = arith.xori %parallel_loop3A_34#0, %reduce_max3A_52 : vector<16xi32>
    %reduce_max3A_54 = tpu.scan <max>, %reduce_max3A_53 masked %reduce_max3A_50 : vector<16xi32>, vector<16xi1> -> vector<16xi32>
    %reduce_max3A_55 = arith.xori %reduce_max3A_54, %reduce_max3A_52 : vector<16xi32>
    %reduce_max3A_56 = vector.extract %reduce_max3A_55[15] : i32 from vector<16xi32>
    %add3A_57 = arith.constant 16 : i32
    %add3A_58 = arith.addi %reduce_max3A_56, %add3A_57 : i32
    %shift_right_logical3A = arith.constant 4 : i32
    %shift_right_logical3A_59 = arith.shrui %add3A_58, %shift_right_logical3A : i32
    %while3A = arith.constant 0 : i32
    %while3A_60 = arith.subi %shift_right_logical3A_59, %while3A : i32
    %while3A_61 = arith.addi %while3A, %while3A_60 : i32
    %while3A_62 = arith.constant 1 : i32
    %while3A_63 = arith.divsi %while3A_60, %while3A_62 : i32
    %while3A_64 = arith.muli %while3A_63, %while3A_62 : i32
    %while3A_65 = arith.addi %while3A, %while3A_64 : i32
    %while3A_66 = arith.constant 1 : i32
    %while3A_67:2 = scf.for %while3A_411 = %while3A to %while3A_65 step %while3A_66 iter_args(%while3A_412 = %broadcast_in_dim3A_23, %while3A_413 = %broadcast_in_dim3A_23) -> (vector<16xf32>, vector<16xf32>)  : i32 {
      %mul3A_414 = arith.constant 16 : i32
      %mul3A_415 = arith.muli %while3A_411, %mul3A_414 : i32
      %get3A = arith.index_cast %mul3A_415 : i32 to index
      %get3A_416 = tpu.vector_load %arg6[%get3A] {strides = array<i32>} : memref<32784xf32, #tpu.memory_space<vmem>>, vector<16xf32>,
      %gt3A = arith.cmpf ogt, %get3A_416, %sub3A_41 : vector<16xf32>
      %select_n3A = arith.select %gt3A, %get3A_416, %broadcast_in_dim3A_23 : vector<16xi1>, vector<16xf32>
      %add3A_417 = arith.addf %while3A_412, %select_n3A : vector<16xf32>
      %mul3A_418 = arith.constant 0.000000e+00 : f32
      %mul3A_419 = vector.broadcast %mul3A_418 : f32 to vector<16xf32>
      %mul3A_420 = arith.mulf %get3A_416, %mul3A_419 : vector<16xf32>
      %add3A_421 = arith.constant 1.000000e+00 : f32
      %add3A_422 = vector.broadcast %add3A_421 : f32 to vector<16xf32>
      %add3A_423 = arith.addf %mul3A_420, %add3A_422 : vector<16xf32>
      %select_n3A_424 = arith.select %gt3A, %add3A_423, %broadcast_in_dim3A_23 : vector<16xi1>, vector<16xf32>
      %add3A_425 = arith.addf %while3A_413, %select_n3A_424 : vector<16xf32>
      scf.yield %add3A_417, %add3A_425 : vector<16xf32>, vector<16xf32>
    }
    %while3A_68 = arith.constant 1 : i32
    %while3A_69:2 = scf.for %while3A_411 = %while3A_65 to %while3A_61 step %while3A_68 iter_args(%while3A_412 = %while3A_67#0, %while3A_413 = %while3A_67#1) -> (vector<16xf32>, vector<16xf32>)  : i32 {
      %mul3A_414 = arith.constant 16 : i32
      %mul3A_415 = arith.muli %while3A_411, %mul3A_414 : i32
      %get3A = arith.index_cast %mul3A_415 : i32 to index
      %get3A_416 = tpu.vector_load %arg6[%get3A] {strides = array<i32>} : memref<32784xf32, #tpu.memory_space<vmem>>, vector<16xf32>,
      %gt3A = arith.cmpf ogt, %get3A_416, %sub3A_41 : vector<16xf32>
      %select_n3A = arith.select %gt3A, %get3A_416, %broadcast_in_dim3A_23 : vector<16xi1>, vector<16xf32>
      %add3A_417 = arith.addf %while3A_412, %select_n3A : vector<16xf32>
      %mul3A_418 = arith.constant 0.000000e+00 : f32
      %mul3A_419 = vector.broadcast %mul3A_418 : f32 to vector<16xf32>
      %mul3A_420 = arith.mulf %get3A_416, %mul3A_419 : vector<16xf32>
      %add3A_421 = arith.constant 1.000000e+00 : f32
      %add3A_422 = vector.broadcast %add3A_421 : f32 to vector<16xf32>
      %add3A_423 = arith.addf %mul3A_420, %add3A_422 : vector<16xf32>
      %select_n3A_424 = arith.select %gt3A, %add3A_423, %broadcast_in_dim3A_23 : vector<16xi1>, vector<16xf32>
      %add3A_425 = arith.addf %while3A_413, %select_n3A_424 : vector<16xf32>
      scf.yield %add3A_417, %add3A_425 : vector<16xf32>, vector<16xf32>
    }
    %reduce_sum3A = arith.constant true
    %reduce_sum3A_70 = vector.broadcast %reduce_sum3A : i1 to vector<16xi1>
    %reduce_sum3A_71 = tpu.scan <sum>, %while3A_69#0 masked %reduce_sum3A_70 : vector<16xf32>, vector<16xi1> -> vector<16xf32>
    %reduce_sum3A_72 = vector.extract %reduce_sum3A_71[15] : f32 from vector<16xf32>
    %broadcast_in_dim3A_73 = vector.broadcast %reduce_sum3A_72 : f32 to vector<16xf32>
    %reduce_sum3A_74 = arith.constant true
    %reduce_sum3A_75 = vector.broadcast %reduce_sum3A_74 : i1 to vector<16xi1>
    %reduce_sum3A_76 = tpu.scan <sum>, %while3A_69#1 masked %reduce_sum3A_75 : vector<16xf32>, vector<16xi1> -> vector<16xf32>
    %reduce_sum3A_77 = vector.extract %reduce_sum3A_76[15] : f32 from vector<16xf32>
    %broadcast_in_dim3A_78 = vector.broadcast %reduce_sum3A_77 : f32 to vector<16xf32>
    %max3A = arith.constant 1.000000e+00 : f32
    %max3A_79 = vector.broadcast %max3A : f32 to vector<16xf32>
    %max3A_80 = arith.maximumf %broadcast_in_dim3A_78, %max3A_79 : vector<16xf32>
    %sub3A_81 = arith.constant 1.000000e+00 : f32
    %sub3A_82 = vector.broadcast %sub3A_81 : f32 to vector<16xf32>
    %sub3A_83 = arith.subf %broadcast_in_dim3A_73, %sub3A_82 : vector<16xf32>
    %div3A = arith.divf %sub3A_83, %max3A_80 : vector<16xf32>
    %while3A_84 = arith.constant 0 : i32
    %while3A_85:3 = scf.while (%while3A_411 = %div3A, %while3A_412 = %sub3A_41, %while3A_413 = %while3A_84) : (vector<16xf32>, vector<16xf32>, i32) -> (vector<16xf32>, vector<16xf32>, i32) {
      %lt3A = arith.constant 32 : i32
      %lt3A_414 = arith.cmpi slt, %while3A_413, %lt3A : i32
      %ne3A = arith.cmpf one, %while3A_411, %while3A_412 : vector<16xf32>
      %reduce_or3A = arith.constant 1.000000e+00 : f32
      %reduce_or3A_415 = arith.constant 0.000000e+00 : f32
      %reduce_or3A_416 = vector.broadcast %reduce_or3A : f32 to vector<16xf32>
      %reduce_or3A_417 = vector.broadcast %reduce_or3A_415 : f32 to vector<16xf32>
      %reduce_or3A_418 = arith.select %ne3A, %reduce_or3A_416, %reduce_or3A_417 : vector<16xi1>, vector<16xf32>
      %reduce_or3A_419 = arith.constant true
      %reduce_or3A_420 = vector.broadcast %reduce_or3A_419 : i1 to vector<16xi1>
      %reduce_or3A_421 = tpu.scan <max>, %reduce_or3A_418 masked %reduce_or3A_420 : vector<16xf32>, vector<16xi1> -> vector<16xf32>
      %reduce_or3A_422 = vector.extract %reduce_or3A_421[15] : f32 from vector<16xf32>
      %reduce_or3A_423 = arith.constant 0.000000e+00 : f32
      %reduce_or3A_424 = arith.cmpf ogt, %reduce_or3A_422, %reduce_or3A_423 : f32
      %and3A = arith.andi %lt3A_414, %reduce_or3A_424 : i1
      scf.condition(%and3A) %while3A_411, %while3A_412, %while3A_413 : vector<16xf32>, vector<16xf32>, i32
    } do {
    ^bb0(%while3A_411: vector<16xf32>, %while3A_412: vector<16xf32>, %while3A_413: i32):
      %while3A_414 = arith.constant 0 : i32
      %while3A_415 = arith.subi %shift_right_logical3A_59, %while3A_414 : i32
      %while3A_416 = arith.addi %while3A_414, %while3A_415 : i32
      %while3A_417 = arith.constant 1 : i32
      %while3A_418 = arith.divsi %while3A_415, %while3A_417 : i32
      %while3A_419 = arith.muli %while3A_418, %while3A_417 : i32
      %while3A_420 = arith.addi %while3A_414, %while3A_419 : i32
      %while3A_421 = arith.constant 1 : i32
      %while3A_422:2 = scf.for %while3A_444 = %while3A_414 to %while3A_420 step %while3A_421 iter_args(%while3A_445 = %broadcast_in_dim3A_23, %while3A_446 = %broadcast_in_dim3A_23) -> (vector<16xf32>, vector<16xf32>)  : i32 {
        %mul3A_447 = arith.constant 16 : i32
        %mul3A_448 = arith.muli %while3A_444, %mul3A_447 : i32
        %get3A = arith.index_cast %mul3A_448 : i32 to index
        %get3A_449 = tpu.vector_load %arg6[%get3A] {strides = array<i32>} : memref<32784xf32, #tpu.memory_space<vmem>>, vector<16xf32>,
        %gt3A = arith.cmpf ogt, %get3A_449, %while3A_411 : vector<16xf32>
        %select_n3A = arith.select %gt3A, %get3A_449, %broadcast_in_dim3A_23 : vector<16xi1>, vector<16xf32>
        %add3A_450 = arith.addf %while3A_445, %select_n3A : vector<16xf32>
        %mul3A_451 = arith.constant 0.000000e+00 : f32
        %mul3A_452 = vector.broadcast %mul3A_451 : f32 to vector<16xf32>
        %mul3A_453 = arith.mulf %get3A_449, %mul3A_452 : vector<16xf32>
        %add3A_454 = arith.constant 1.000000e+00 : f32
        %add3A_455 = vector.broadcast %add3A_454 : f32 to vector<16xf32>
        %add3A_456 = arith.addf %mul3A_453, %add3A_455 : vector<16xf32>
        %select_n3A_457 = arith.select %gt3A, %add3A_456, %broadcast_in_dim3A_23 : vector<16xi1>, vector<16xf32>
        %add3A_458 = arith.addf %while3A_446, %select_n3A_457 : vector<16xf32>
        scf.yield %add3A_450, %add3A_458 : vector<16xf32>, vector<16xf32>
      }
      %while3A_423 = arith.constant 1 : i32
      %while3A_424:2 = scf.for %while3A_444 = %while3A_420 to %while3A_416 step %while3A_423 iter_args(%while3A_445 = %while3A_422#0, %while3A_446 = %while3A_422#1) -> (vector<16xf32>, vector<16xf32>)  : i32 {
        %mul3A_447 = arith.constant 16 : i32
        %mul3A_448 = arith.muli %while3A_444, %mul3A_447 : i32
        %get3A = arith.index_cast %mul3A_448 : i32 to index
        %get3A_449 = tpu.vector_load %arg6[%get3A] {strides = array<i32>} : memref<32784xf32, #tpu.memory_space<vmem>>, vector<16xf32>,
        %gt3A = arith.cmpf ogt, %get3A_449, %while3A_411 : vector<16xf32>
        %select_n3A = arith.select %gt3A, %get3A_449, %broadcast_in_dim3A_23 : vector<16xi1>, vector<16xf32>
        %add3A_450 = arith.addf %while3A_445, %select_n3A : vector<16xf32>
        %mul3A_451 = arith.constant 0.000000e+00 : f32
        %mul3A_452 = vector.broadcast %mul3A_451 : f32 to vector<16xf32>
        %mul3A_453 = arith.mulf %get3A_449, %mul3A_452 : vector<16xf32>
        %add3A_454 = arith.constant 1.000000e+00 : f32
        %add3A_455 = vector.broadcast %add3A_454 : f32 to vector<16xf32>
        %add3A_456 = arith.addf %mul3A_453, %add3A_455 : vector<16xf32>
        %select_n3A_457 = arith.select %gt3A, %add3A_456, %broadcast_in_dim3A_23 : vector<16xi1>, vector<16xf32>
        %add3A_458 = arith.addf %while3A_446, %select_n3A_457 : vector<16xf32>
        scf.yield %add3A_450, %add3A_458 : vector<16xf32>, vector<16xf32>
      }
      %reduce_sum3A_425 = arith.constant true
      %reduce_sum3A_426 = vector.broadcast %reduce_sum3A_425 : i1 to vector<16xi1>
      %reduce_sum3A_427 = tpu.scan <sum>, %while3A_424#0 masked %reduce_sum3A_426 : vector<16xf32>, vector<16xi1> -> vector<16xf32>
      %reduce_sum3A_428 = vector.extract %reduce_sum3A_427[15] : f32 from vector<16xf32>
      %broadcast_in_dim3A_429 = vector.broadcast %reduce_sum3A_428 : f32 to vector<16xf32>
      %reduce_sum3A_430 = arith.constant true
      %reduce_sum3A_431 = vector.broadcast %reduce_sum3A_430 : i1 to vector<16xi1>
      %reduce_sum3A_432 = tpu.scan <sum>, %while3A_424#1 masked %reduce_sum3A_431 : vector<16xf32>, vector<16xi1> -> vector<16xf32>
      %reduce_sum3A_433 = vector.extract %reduce_sum3A_432[15] : f32 from vector<16xf32>
      %broadcast_in_dim3A_434 = vector.broadcast %reduce_sum3A_433 : f32 to vector<16xf32>
      %max3A_435 = arith.constant 1.000000e+00 : f32
      %max3A_436 = vector.broadcast %max3A_435 : f32 to vector<16xf32>
      %max3A_437 = arith.maximumf %broadcast_in_dim3A_434, %max3A_436 : vector<16xf32>
      %sub3A_438 = arith.constant 1.000000e+00 : f32
      %sub3A_439 = vector.broadcast %sub3A_438 : f32 to vector<16xf32>
      %sub3A_440 = arith.subf %broadcast_in_dim3A_429, %sub3A_439 : vector<16xf32>
      %div3A_441 = arith.divf %sub3A_440, %max3A_437 : vector<16xf32>
      %add3A_442 = arith.constant 1 : i32
      %add3A_443 = arith.addi %while3A_413, %add3A_442 : i32
      scf.yield %div3A_441, %while3A_411, %add3A_443 : vector<16xf32>, vector<16xf32>, i32
    }
    %parallel_loop3A_86 = arith.constant 0 : i32
    %parallel_loop3A_87 = arith.constant 2048 : i32
    %parallel_loop3A_88 = arith.constant 1 : i32
    scf.for %parallel_loop3A_411 = %parallel_loop3A_86 to %parallel_loop3A_87 step %parallel_loop3A_88  : i32 {
      %parallel_loop3A_412 = arith.constant 0 : i32
      %parallel_loop3A_413 = arith.addi %parallel_loop3A_411, %parallel_loop3A_412 : i32
      %parallel_loop3A_414 = arith.constant 16 : i32
      %parallel_loop3A_415 = arith.muli %parallel_loop3A_413, %parallel_loop3A_414 : i32
      %parallel_loop3A_416 = arith.index_cast %parallel_loop3A_415 : i32 to index
      %parallel_loop3A_417 = tpu.vector_load %arg4[%parallel_loop3A_416] {strides = array<i32>} : memref<32768xf32, #tpu.memory_space<vmem>>, vector<16xf32>,
      %parallel_loop3A_418 = arith.subf %parallel_loop3A_417, %while3A_85#0 : vector<16xf32>
      %parallel_loop3A_419 = arith.constant 0.000000e+00 : f32
      %parallel_loop3A_420 = vector.broadcast %parallel_loop3A_419 : f32 to vector<16xf32>
      %parallel_loop3A_421 = arith.maximumf %parallel_loop3A_418, %parallel_loop3A_420 : vector<16xf32>
      %parallel_loop3A_422 = arith.constant 0 : i32
      %parallel_loop3A_423 = arith.addi %parallel_loop3A_411, %parallel_loop3A_422 : i32
      %parallel_loop3A_424 = arith.constant 16 : i32
      %parallel_loop3A_425 = arith.muli %parallel_loop3A_423, %parallel_loop3A_424 : i32
      %parallel_loop3A_426 = arith.index_cast %parallel_loop3A_425 : i32 to index
      %parallel_loop3A_427 = tpu.vector_load %arg4[%parallel_loop3A_426] {strides = array<i32>} : memref<32768xf32, #tpu.memory_space<vmem>>, vector<16xf32>,
      tpu.vector_store %arg4[%parallel_loop3A_426], %parallel_loop3A_421 {strides = array<i32>} : memref<32768xf32, #tpu.memory_space<vmem>>, vector<16xf32>,
    } {sc.loop_unroll_factor = 8 : i64, sc.parallel_access}
    %add3A_89 = arith.constant 0 : i32
    %add3A_90 = arith.addi %mul3A_2, %add3A_89 : i32
    %dma_start3A_91 = arith.constant 0 : i32
    %dma_start3A_92 = tpu.memref_slice %arg3[%add3A_90, %dma_start3A_91] : memref<128x32768xf32, #tpu.memory_space<hbm>> -> memref<1x32768xf32, #tpu.memory_space<hbm>>
    %dma_start3A_93 = tpu.memref_squeeze %dma_start3A_92 : memref<1x32768xf32, #tpu.memory_space<hbm>> -> memref<32768xf32, #tpu.memory_space<hbm>>
    %dma_start3A_94 = arith.constant 0 : i32
    %dma_start3A_95 = tpu.memref_slice %arg3[%add3A_90, %dma_start3A_94] : memref<128x32768xf32, #tpu.memory_space<hbm>> -> memref<1x32768xf32, #tpu.memory_space<hbm>>
    %dma_start3A_96 = tpu.memref_squeeze %dma_start3A_95 : memref<1x32768xf32, #tpu.memory_space<hbm>> -> memref<32768xf32, #tpu.memory_space<hbm>>
    tpu.enqueue_dma source(%arg4 : memref<32768xf32, #tpu.memory_space<vmem>>) target(%dma_start3A_96 : memref<32768xf32, #tpu.memory_space<hbm>>) target_semaphore(%arg9 : memref<!tpu.dma_semaphore, #tpu.memory_space<semaphore_mem>>)
    %dma_wait3A_97 = arith.constant 0 : i32
    %dma_wait3A_98 = tpu.memref_slice %arg3[%add3A_90, %dma_wait3A_97] : memref<128x32768xf32, #tpu.memory_space<hbm>> -> memref<1x32768xf32, #tpu.memory_space<hbm>>
    %dma_wait3A_99 = tpu.memref_squeeze %dma_wait3A_98 : memref<1x32768xf32, #tpu.memory_space<hbm>> -> memref<32768xf32, #tpu.memory_space<hbm>>
    %dma_wait3A_100 = arith.constant 0 : i32
    %dma_wait3A_101 = tpu.memref_slice %arg3[%add3A_90, %dma_wait3A_100] : memref<128x32768xf32, #tpu.memory_space<hbm>> -> memref<1x32768xf32, #tpu.memory_space<hbm>>
    %dma_wait3A_102 = tpu.memref_squeeze %dma_wait3A_101 : memref<1x32768xf32, #tpu.memory_space<hbm>> -> memref<32768xf32, #tpu.memory_space<hbm>>
    tpu.wait_dma2 semaphore(%arg9 : memref<!tpu.dma_semaphore, #tpu.memory_space<semaphore_mem>>) src(%arg4 : memref<32768xf32, #tpu.memory_space<vmem>>) dst(%dma_wait3A_102 : memref<32768xf32, #tpu.memory_space<hbm>>)
    %add3A_103 = arith.constant 1 : i32
    %add3A_104 = arith.addi %mul3A_2, %add3A_103 : i32
    %add3A_105 = arith.constant 1 : i32
    %add3A_106 = arith.addi %add3A_104, %add3A_105 : i32
    %dma_start3A_107 = arith.constant 0 : i32
    %dma_start3A_108 = tpu.memref_slice %arg2[%add3A_106, %dma_start3A_107] : memref<128x32768xf32, #tpu.memory_space<hbm>> -> memref<1x32768xf32, #tpu.memory_space<hbm>>
    %dma_start3A_109 = tpu.memref_squeeze %dma_start3A_108 : memref<1x32768xf32, #tpu.memory_space<hbm>> -> memref<32768xf32, #tpu.memory_space<hbm>>
    %dma_start3A_110 = arith.constant 0 : i32
    %dma_start3A_111 = tpu.memref_slice %arg2[%add3A_106, %dma_start3A_110] : memref<128x32768xf32, #tpu.memory_space<hbm>> -> memref<1x32768xf32, #tpu.memory_space<hbm>>
    %dma_start3A_112 = tpu.memref_squeeze %dma_start3A_111 : memref<1x32768xf32, #tpu.memory_space<hbm>> -> memref<32768xf32, #tpu.memory_space<hbm>>
    tpu.enqueue_dma source(%dma_start3A_112 : memref<32768xf32, #tpu.memory_space<hbm>>) target(%arg4 : memref<32768xf32, #tpu.memory_space<vmem>>) target_semaphore(%arg7 : memref<!tpu.dma_semaphore, #tpu.memory_space<semaphore_mem>>)
    %dma_wait3A_113 = arith.constant 0 : i32
    %dma_wait3A_114 = tpu.memref_slice %arg2[%add3A_11, %dma_wait3A_113] : memref<128x32768xf32, #tpu.memory_space<hbm>> -> memref<1x32768xf32, #tpu.memory_space<hbm>>
    %dma_wait3A_115 = tpu.memref_squeeze %dma_wait3A_114 : memref<1x32768xf32, #tpu.memory_space<hbm>> -> memref<32768xf32, #tpu.memory_space<hbm>>
    %dma_wait3A_116 = arith.constant 0 : i32
    %dma_wait3A_117 = tpu.memref_slice %arg2[%add3A_11, %dma_wait3A_116] : memref<128x32768xf32, #tpu.memory_space<hbm>> -> memref<1x32768xf32, #tpu.memory_space<hbm>>
    %dma_wait3A_118 = tpu.memref_squeeze %dma_wait3A_117 : memref<1x32768xf32, #tpu.memory_space<hbm>> -> memref<32768xf32, #tpu.memory_space<hbm>>
    tpu.wait_dma2 semaphore(%arg8 : memref<!tpu.dma_semaphore, #tpu.memory_space<semaphore_mem>>) src(%dma_wait3A_118 : memref<32768xf32, #tpu.memory_space<hbm>>) dst(%arg5 : memref<32768xf32, #tpu.memory_space<vmem>>)
    %iota3A_119 = tpu.iota {dimensions = array<i32: 0>} : vector<16xi32>
    %broadcast_in_dim3A_120 = arith.constant 0.000000e+00 : f32
    %broadcast_in_dim3A_121 = vector.broadcast %broadcast_in_dim3A_120 : f32 to vector<16xf32>
    %broadcast_in_dim3A_122 = arith.constant 0 : i32
    %broadcast_in_dim3A_123 = vector.broadcast %broadcast_in_dim3A_122 : i32 to vector<16xi32>
    %broadcast_in_dim3A_124 = arith.constant 1 : i32
    %broadcast_in_dim3A_125 = vector.broadcast %broadcast_in_dim3A_124 : i32 to vector<16xi32>
    %broadcast_in_dim3A_126 = arith.constant -3.000000e+38 : f32
    %broadcast_in_dim3A_127 = vector.broadcast %broadcast_in_dim3A_126 : f32 to vector<16xf32>
    %sub3A_128 = arith.constant 1 : i32
    %sub3A_129 = vector.broadcast %sub3A_128 : i32 to vector<16xi32>
    %sub3A_130 = arith.subi %broadcast_in_dim3A_123, %sub3A_129 : vector<16xi32>
    %parallel_loop3A_131 = arith.constant 0 : i32
    %parallel_loop3A_132 = arith.constant 2048 : i32
    %parallel_loop3A_133 = arith.constant 1 : i32
    %parallel_loop3A_134:2 = scf.for %parallel_loop3A_411 = %parallel_loop3A_131 to %parallel_loop3A_132 step %parallel_loop3A_133 iter_args(%parallel_loop3A_412 = %sub3A_130, %parallel_loop3A_413 = %broadcast_in_dim3A_127) -> (vector<16xi32>, vector<16xf32>)  : i32 {
      %parallel_loop3A_414 = arith.constant 0 : i32
      %parallel_loop3A_415 = arith.addi %parallel_loop3A_411, %parallel_loop3A_414 : i32
      %parallel_loop3A_416 = arith.constant 16 : i32
      %parallel_loop3A_417 = arith.muli %parallel_loop3A_415, %parallel_loop3A_416 : i32
      %parallel_loop3A_418 = arith.index_cast %parallel_loop3A_417 : i32 to index
      %parallel_loop3A_419 = tpu.vector_load %arg5[%parallel_loop3A_418] {strides = array<i32>} : memref<32768xf32, #tpu.memory_space<vmem>>, vector<16xf32>,
      %parallel_loop3A_420 = arith.constant 1.000000e+00 : f32
      %parallel_loop3A_421 = vector.broadcast %parallel_loop3A_420 : f32 to vector<16xf32>
      %parallel_loop3A_422 = arith.subf %parallel_loop3A_413, %parallel_loop3A_421 : vector<16xf32>
      %parallel_loop3A_423 = arith.cmpf ogt, %parallel_loop3A_419, %parallel_loop3A_422 : vector<16xf32>
      %parallel_loop3A_424 = tpu.scan <sum>, %broadcast_in_dim3A_125 masked %parallel_loop3A_423 : vector<16xi32>, vector<16xi1> -> vector<16xi32>
      %parallel_loop3A_425 = arith.addi %parallel_loop3A_412, %parallel_loop3A_424 : vector<16xi32>
      tpu.vector_store_idx %arg6[%parallel_loop3A_425], %parallel_loop3A_419 masked %parallel_loop3A_423 : memref<32784xf32, #tpu.memory_space<vmem>>[vector<16xi32>], vector<16xf32>, vector<16xi1>
      %parallel_loop3A_426 = tpu.all_reduce %parallel_loop3A_423 {dim = 0 : i64, kind = #tpu.reduction_kind<sum>} : vector<16xi1> -> vector<16xi32>
      %parallel_loop3A_427 = arith.addi %parallel_loop3A_412, %parallel_loop3A_426 : vector<16xi32>
      %parallel_loop3A_428 = arith.maximumf %parallel_loop3A_413, %parallel_loop3A_419 : vector<16xf32>
      scf.yield %parallel_loop3A_427, %parallel_loop3A_428 : vector<16xi32>, vector<16xf32>
    } {sc.loop_unroll_factor = 8 : i64, sc.parallel_access}
    %reduce_max3A_135 = arith.constant true
    %reduce_max3A_136 = vector.broadcast %reduce_max3A_135 : i1 to vector<16xi1>
    %reduce_max3A_137 = tpu.scan <max>, %parallel_loop3A_134#1 masked %reduce_max3A_136 : vector<16xf32>, vector<16xi1> -> vector<16xf32>
    %reduce_max3A_138 = vector.extract %reduce_max3A_137[15] : f32 from vector<16xf32>
    %broadcast_in_dim3A_139 = vector.broadcast %reduce_max3A_138 : f32 to vector<16xf32>
    %sub3A_140 = arith.constant 1.000000e+00 : f32
    %sub3A_141 = vector.broadcast %sub3A_140 : f32 to vector<16xf32>
    %sub3A_142 = arith.subf %broadcast_in_dim3A_139, %sub3A_141 : vector<16xf32>
    %add3A_143 = arith.constant 1 : i32
    %add3A_144 = vector.broadcast %add3A_143 : i32 to vector<16xi32>
    %add3A_145 = arith.addi %parallel_loop3A_134#0, %add3A_144 : vector<16xi32>
    %add3A_146 = arith.addi %add3A_145, %iota3A_119 : vector<16xi32>
    %sub3A_147 = arith.constant 1.000000e+00 : f32
    %sub3A_148 = vector.broadcast %sub3A_147 : f32 to vector<16xf32>
    %sub3A_149 = arith.subf %sub3A_142, %sub3A_148 : vector<16xf32>
    tpu.vector_store_idx %arg6[%add3A_146], %sub3A_149 : memref<32784xf32, #tpu.memory_space<vmem>>[vector<16xi32>], vector<16xf32>,
    %reduce_max3A_150 = arith.constant true
    %reduce_max3A_151 = vector.broadcast %reduce_max3A_150 : i1 to vector<16xi1>
    %reduce_max3A_152 = arith.constant -2147483648 : i32
    %reduce_max3A_153 = vector.broadcast %reduce_max3A_152 : i32 to vector<16xi32>
    %reduce_max3A_154 = arith.xori %parallel_loop3A_134#0, %reduce_max3A_153 : vector<16xi32>
    %reduce_max3A_155 = tpu.scan <max>, %reduce_max3A_154 masked %reduce_max3A_151 : vector<16xi32>, vector<16xi1> -> vector<16xi32>
    %reduce_max3A_156 = arith.xori %reduce_max3A_155, %reduce_max3A_153 : vector<16xi32>
    %reduce_max3A_157 = vector.extract %reduce_max3A_156[15] : i32 from vector<16xi32>
    %add3A_158 = arith.constant 16 : i32
    %add3A_159 = arith.addi %reduce_max3A_157, %add3A_158 : i32
    %shift_right_logical3A_160 = arith.constant 4 : i32
    %shift_right_logical3A_161 = arith.shrui %add3A_159, %shift_right_logical3A_160 : i32
    %while3A_162 = arith.constant 0 : i32
    %while3A_163 = arith.subi %shift_right_logical3A_161, %while3A_162 : i32
    %while3A_164 = arith.addi %while3A_162, %while3A_163 : i32
    %while3A_165 = arith.constant 1 : i32
    %while3A_166 = arith.divsi %while3A_163, %while3A_165 : i32
    %while3A_167 = arith.muli %while3A_166, %while3A_165 : i32
    %while3A_168 = arith.addi %while3A_162, %while3A_167 : i32
    %while3A_169 = arith.constant 1 : i32
    %while3A_170:2 = scf.for %while3A_411 = %while3A_162 to %while3A_168 step %while3A_169 iter_args(%while3A_412 = %broadcast_in_dim3A_121, %while3A_413 = %broadcast_in_dim3A_121) -> (vector<16xf32>, vector<16xf32>)  : i32 {
      %mul3A_414 = arith.constant 16 : i32
      %mul3A_415 = arith.muli %while3A_411, %mul3A_414 : i32
      %get3A = arith.index_cast %mul3A_415 : i32 to index
      %get3A_416 = tpu.vector_load %arg6[%get3A] {strides = array<i32>} : memref<32784xf32, #tpu.memory_space<vmem>>, vector<16xf32>,
      %gt3A = arith.cmpf ogt, %get3A_416, %sub3A_142 : vector<16xf32>
      %select_n3A = arith.select %gt3A, %get3A_416, %broadcast_in_dim3A_121 : vector<16xi1>, vector<16xf32>
      %add3A_417 = arith.addf %while3A_412, %select_n3A : vector<16xf32>
      %mul3A_418 = arith.constant 0.000000e+00 : f32
      %mul3A_419 = vector.broadcast %mul3A_418 : f32 to vector<16xf32>
      %mul3A_420 = arith.mulf %get3A_416, %mul3A_419 : vector<16xf32>
      %add3A_421 = arith.constant 1.000000e+00 : f32
      %add3A_422 = vector.broadcast %add3A_421 : f32 to vector<16xf32>
      %add3A_423 = arith.addf %mul3A_420, %add3A_422 : vector<16xf32>
      %select_n3A_424 = arith.select %gt3A, %add3A_423, %broadcast_in_dim3A_121 : vector<16xi1>, vector<16xf32>
      %add3A_425 = arith.addf %while3A_413, %select_n3A_424 : vector<16xf32>
      scf.yield %add3A_417, %add3A_425 : vector<16xf32>, vector<16xf32>
    }
    %while3A_171 = arith.constant 1 : i32
    %while3A_172:2 = scf.for %while3A_411 = %while3A_168 to %while3A_164 step %while3A_171 iter_args(%while3A_412 = %while3A_170#0, %while3A_413 = %while3A_170#1) -> (vector<16xf32>, vector<16xf32>)  : i32 {
      %mul3A_414 = arith.constant 16 : i32
      %mul3A_415 = arith.muli %while3A_411, %mul3A_414 : i32
      %get3A = arith.index_cast %mul3A_415 : i32 to index
      %get3A_416 = tpu.vector_load %arg6[%get3A] {strides = array<i32>} : memref<32784xf32, #tpu.memory_space<vmem>>, vector<16xf32>,
      %gt3A = arith.cmpf ogt, %get3A_416, %sub3A_142 : vector<16xf32>
      %select_n3A = arith.select %gt3A, %get3A_416, %broadcast_in_dim3A_121 : vector<16xi1>, vector<16xf32>
      %add3A_417 = arith.addf %while3A_412, %select_n3A : vector<16xf32>
      %mul3A_418 = arith.constant 0.000000e+00 : f32
      %mul3A_419 = vector.broadcast %mul3A_418 : f32 to vector<16xf32>
      %mul3A_420 = arith.mulf %get3A_416, %mul3A_419 : vector<16xf32>
      %add3A_421 = arith.constant 1.000000e+00 : f32
      %add3A_422 = vector.broadcast %add3A_421 : f32 to vector<16xf32>
      %add3A_423 = arith.addf %mul3A_420, %add3A_422 : vector<16xf32>
      %select_n3A_424 = arith.select %gt3A, %add3A_423, %broadcast_in_dim3A_121 : vector<16xi1>, vector<16xf32>
      %add3A_425 = arith.addf %while3A_413, %select_n3A_424 : vector<16xf32>
      scf.yield %add3A_417, %add3A_425 : vector<16xf32>, vector<16xf32>
    }
    %reduce_sum3A_173 = arith.constant true
    %reduce_sum3A_174 = vector.broadcast %reduce_sum3A_173 : i1 to vector<16xi1>
    %reduce_sum3A_175 = tpu.scan <sum>, %while3A_172#0 masked %reduce_sum3A_174 : vector<16xf32>, vector<16xi1> -> vector<16xf32>
    %reduce_sum3A_176 = vector.extract %reduce_sum3A_175[15] : f32 from vector<16xf32>
    %broadcast_in_dim3A_177 = vector.broadcast %reduce_sum3A_176 : f32 to vector<16xf32>
    %reduce_sum3A_178 = arith.constant true
    %reduce_sum3A_179 = vector.broadcast %reduce_sum3A_178 : i1 to vector<16xi1>
    %reduce_sum3A_180 = tpu.scan <sum>, %while3A_172#1 masked %reduce_sum3A_179 : vector<16xf32>, vector<16xi1> -> vector<16xf32>
    %reduce_sum3A_181 = vector.extract %reduce_sum3A_180[15] : f32 from vector<16xf32>
    %broadcast_in_dim3A_182 = vector.broadcast %reduce_sum3A_181 : f32 to vector<16xf32>
    %max3A_183 = arith.constant 1.000000e+00 : f32
    %max3A_184 = vector.broadcast %max3A_183 : f32 to vector<16xf32>
    %max3A_185 = arith.maximumf %broadcast_in_dim3A_182, %max3A_184 : vector<16xf32>
    %sub3A_186 = arith.constant 1.000000e+00 : f32
    %sub3A_187 = vector.broadcast %sub3A_186 : f32 to vector<16xf32>
    %sub3A_188 = arith.subf %broadcast_in_dim3A_177, %sub3A_187 : vector<16xf32>
    %div3A_189 = arith.divf %sub3A_188, %max3A_185 : vector<16xf32>
    %while3A_190 = arith.constant 0 : i32
    %while3A_191:3 = scf.while (%while3A_411 = %div3A_189, %while3A_412 = %sub3A_142, %while3A_413 = %while3A_190) : (vector<16xf32>, vector<16xf32>, i32) -> (vector<16xf32>, vector<16xf32>, i32) {
      %lt3A = arith.constant 32 : i32
      %lt3A_414 = arith.cmpi slt, %while3A_413, %lt3A : i32
      %ne3A = arith.cmpf one, %while3A_411, %while3A_412 : vector<16xf32>
      %reduce_or3A = arith.constant 1.000000e+00 : f32
      %reduce_or3A_415 = arith.constant 0.000000e+00 : f32
      %reduce_or3A_416 = vector.broadcast %reduce_or3A : f32 to vector<16xf32>
      %reduce_or3A_417 = vector.broadcast %reduce_or3A_415 : f32 to vector<16xf32>
      %reduce_or3A_418 = arith.select %ne3A, %reduce_or3A_416, %reduce_or3A_417 : vector<16xi1>, vector<16xf32>
      %reduce_or3A_419 = arith.constant true
      %reduce_or3A_420 = vector.broadcast %reduce_or3A_419 : i1 to vector<16xi1>
      %reduce_or3A_421 = tpu.scan <max>, %reduce_or3A_418 masked %reduce_or3A_420 : vector<16xf32>, vector<16xi1> -> vector<16xf32>
      %reduce_or3A_422 = vector.extract %reduce_or3A_421[15] : f32 from vector<16xf32>
      %reduce_or3A_423 = arith.constant 0.000000e+00 : f32
      %reduce_or3A_424 = arith.cmpf ogt, %reduce_or3A_422, %reduce_or3A_423 : f32
      %and3A = arith.andi %lt3A_414, %reduce_or3A_424 : i1
      scf.condition(%and3A) %while3A_411, %while3A_412, %while3A_413 : vector<16xf32>, vector<16xf32>, i32
    } do {
    ^bb0(%while3A_411: vector<16xf32>, %while3A_412: vector<16xf32>, %while3A_413: i32):
      %while3A_414 = arith.constant 0 : i32
      %while3A_415 = arith.subi %shift_right_logical3A_161, %while3A_414 : i32
      %while3A_416 = arith.addi %while3A_414, %while3A_415 : i32
      %while3A_417 = arith.constant 1 : i32
      %while3A_418 = arith.divsi %while3A_415, %while3A_417 : i32
      %while3A_419 = arith.muli %while3A_418, %while3A_417 : i32
      %while3A_420 = arith.addi %while3A_414, %while3A_419 : i32
      %while3A_421 = arith.constant 1 : i32
      %while3A_422:2 = scf.for %while3A_444 = %while3A_414 to %while3A_420 step %while3A_421 iter_args(%while3A_445 = %broadcast_in_dim3A_121, %while3A_446 = %broadcast_in_dim3A_121) -> (vector<16xf32>, vector<16xf32>)  : i32 {
        %mul3A_447 = arith.constant 16 : i32
        %mul3A_448 = arith.muli %while3A_444, %mul3A_447 : i32
        %get3A = arith.index_cast %mul3A_448 : i32 to index
        %get3A_449 = tpu.vector_load %arg6[%get3A] {strides = array<i32>} : memref<32784xf32, #tpu.memory_space<vmem>>, vector<16xf32>,
        %gt3A = arith.cmpf ogt, %get3A_449, %while3A_411 : vector<16xf32>
        %select_n3A = arith.select %gt3A, %get3A_449, %broadcast_in_dim3A_121 : vector<16xi1>, vector<16xf32>
        %add3A_450 = arith.addf %while3A_445, %select_n3A : vector<16xf32>
        %mul3A_451 = arith.constant 0.000000e+00 : f32
        %mul3A_452 = vector.broadcast %mul3A_451 : f32 to vector<16xf32>
        %mul3A_453 = arith.mulf %get3A_449, %mul3A_452 : vector<16xf32>
        %add3A_454 = arith.constant 1.000000e+00 : f32
        %add3A_455 = vector.broadcast %add3A_454 : f32 to vector<16xf32>
        %add3A_456 = arith.addf %mul3A_453, %add3A_455 : vector<16xf32>
        %select_n3A_457 = arith.select %gt3A, %add3A_456, %broadcast_in_dim3A_121 : vector<16xi1>, vector<16xf32>
        %add3A_458 = arith.addf %while3A_446, %select_n3A_457 : vector<16xf32>
        scf.yield %add3A_450, %add3A_458 : vector<16xf32>, vector<16xf32>
      }
      %while3A_423 = arith.constant 1 : i32
      %while3A_424:2 = scf.for %while3A_444 = %while3A_420 to %while3A_416 step %while3A_423 iter_args(%while3A_445 = %while3A_422#0, %while3A_446 = %while3A_422#1) -> (vector<16xf32>, vector<16xf32>)  : i32 {
        %mul3A_447 = arith.constant 16 : i32
        %mul3A_448 = arith.muli %while3A_444, %mul3A_447 : i32
        %get3A = arith.index_cast %mul3A_448 : i32 to index
        %get3A_449 = tpu.vector_load %arg6[%get3A] {strides = array<i32>} : memref<32784xf32, #tpu.memory_space<vmem>>, vector<16xf32>,
        %gt3A = arith.cmpf ogt, %get3A_449, %while3A_411 : vector<16xf32>
        %select_n3A = arith.select %gt3A, %get3A_449, %broadcast_in_dim3A_121 : vector<16xi1>, vector<16xf32>
        %add3A_450 = arith.addf %while3A_445, %select_n3A : vector<16xf32>
        %mul3A_451 = arith.constant 0.000000e+00 : f32
        %mul3A_452 = vector.broadcast %mul3A_451 : f32 to vector<16xf32>
        %mul3A_453 = arith.mulf %get3A_449, %mul3A_452 : vector<16xf32>
        %add3A_454 = arith.constant 1.000000e+00 : f32
        %add3A_455 = vector.broadcast %add3A_454 : f32 to vector<16xf32>
        %add3A_456 = arith.addf %mul3A_453, %add3A_455 : vector<16xf32>
        %select_n3A_457 = arith.select %gt3A, %add3A_456, %broadcast_in_dim3A_121 : vector<16xi1>, vector<16xf32>
        %add3A_458 = arith.addf %while3A_446, %select_n3A_457 : vector<16xf32>
        scf.yield %add3A_450, %add3A_458 : vector<16xf32>, vector<16xf32>
      }
      %reduce_sum3A_425 = arith.constant true
      %reduce_sum3A_426 = vector.broadcast %reduce_sum3A_425 : i1 to vector<16xi1>
      %reduce_sum3A_427 = tpu.scan <sum>, %while3A_424#0 masked %reduce_sum3A_426 : vector<16xf32>, vector<16xi1> -> vector<16xf32>
      %reduce_sum3A_428 = vector.extract %reduce_sum3A_427[15] : f32 from vector<16xf32>
      %broadcast_in_dim3A_429 = vector.broadcast %reduce_sum3A_428 : f32 to vector<16xf32>
      %reduce_sum3A_430 = arith.constant true
      %reduce_sum3A_431 = vector.broadcast %reduce_sum3A_430 : i1 to vector<16xi1>
      %reduce_sum3A_432 = tpu.scan <sum>, %while3A_424#1 masked %reduce_sum3A_431 : vector<16xf32>, vector<16xi1> -> vector<16xf32>
      %reduce_sum3A_433 = vector.extract %reduce_sum3A_432[15] : f32 from vector<16xf32>
      %broadcast_in_dim3A_434 = vector.broadcast %reduce_sum3A_433 : f32 to vector<16xf32>
      %max3A_435 = arith.constant 1.000000e+00 : f32
      %max3A_436 = vector.broadcast %max3A_435 : f32 to vector<16xf32>
      %max3A_437 = arith.maximumf %broadcast_in_dim3A_434, %max3A_436 : vector<16xf32>
      %sub3A_438 = arith.constant 1.000000e+00 : f32
      %sub3A_439 = vector.broadcast %sub3A_438 : f32 to vector<16xf32>
      %sub3A_440 = arith.subf %broadcast_in_dim3A_429, %sub3A_439 : vector<16xf32>
      %div3A_441 = arith.divf %sub3A_440, %max3A_437 : vector<16xf32>
      %add3A_442 = arith.constant 1 : i32
      %add3A_443 = arith.addi %while3A_413, %add3A_442 : i32
      scf.yield %div3A_441, %while3A_411, %add3A_443 : vector<16xf32>, vector<16xf32>, i32
    }
    %parallel_loop3A_192 = arith.constant 0 : i32
    %parallel_loop3A_193 = arith.constant 2048 : i32
    %parallel_loop3A_194 = arith.constant 1 : i32
    scf.for %parallel_loop3A_411 = %parallel_loop3A_192 to %parallel_loop3A_193 step %parallel_loop3A_194  : i32 {
      %parallel_loop3A_412 = arith.constant 0 : i32
      %parallel_loop3A_413 = arith.addi %parallel_loop3A_411, %parallel_loop3A_412 : i32
      %parallel_loop3A_414 = arith.constant 16 : i32
      %parallel_loop3A_415 = arith.muli %parallel_loop3A_413, %parallel_loop3A_414 : i32
      %parallel_loop3A_416 = arith.index_cast %parallel_loop3A_415 : i32 to index
      %parallel_loop3A_417 = tpu.vector_load %arg5[%parallel_loop3A_416] {strides = array<i32>} : memref<32768xf32, #tpu.memory_space<vmem>>, vector<16xf32>,
      %parallel_loop3A_418 = arith.subf %parallel_loop3A_417, %while3A_191#0 : vector<16xf32>
      %parallel_loop3A_419 = arith.constant 0.000000e+00 : f32
      %parallel_loop3A_420 = vector.broadcast %parallel_loop3A_419 : f32 to vector<16xf32>
      %parallel_loop3A_421 = arith.maximumf %parallel_loop3A_418, %parallel_loop3A_420 : vector<16xf32>
      %parallel_loop3A_422 = arith.constant 0 : i32
      %parallel_loop3A_423 = arith.addi %parallel_loop3A_411, %parallel_loop3A_422 : i32
      %parallel_loop3A_424 = arith.constant 16 : i32
      %parallel_loop3A_425 = arith.muli %parallel_loop3A_423, %parallel_loop3A_424 : i32
      %parallel_loop3A_426 = arith.index_cast %parallel_loop3A_425 : i32 to index
      %parallel_loop3A_427 = tpu.vector_load %arg5[%parallel_loop3A_426] {strides = array<i32>} : memref<32768xf32, #tpu.memory_space<vmem>>, vector<16xf32>,
      tpu.vector_store %arg5[%parallel_loop3A_426], %parallel_loop3A_421 {strides = array<i32>} : memref<32768xf32, #tpu.memory_space<vmem>>, vector<16xf32>,
    } {sc.loop_unroll_factor = 8 : i64, sc.parallel_access}
    %add3A_195 = arith.constant 1 : i32
    %add3A_196 = arith.addi %mul3A_2, %add3A_195 : i32
    %dma_start3A_197 = arith.constant 0 : i32
    %dma_start3A_198 = tpu.memref_slice %arg3[%add3A_196, %dma_start3A_197] : memref<128x32768xf32, #tpu.memory_space<hbm>> -> memref<1x32768xf32, #tpu.memory_space<hbm>>
    %dma_start3A_199 = tpu.memref_squeeze %dma_start3A_198 : memref<1x32768xf32, #tpu.memory_space<hbm>> -> memref<32768xf32, #tpu.memory_space<hbm>>
    %dma_start3A_200 = arith.constant 0 : i32
    %dma_start3A_201 = tpu.memref_slice %arg3[%add3A_196, %dma_start3A_200] : memref<128x32768xf32, #tpu.memory_space<hbm>> -> memref<1x32768xf32, #tpu.memory_space<hbm>>
    %dma_start3A_202 = tpu.memref_squeeze %dma_start3A_201 : memref<1x32768xf32, #tpu.memory_space<hbm>> -> memref<32768xf32, #tpu.memory_space<hbm>>
    tpu.enqueue_dma source(%arg5 : memref<32768xf32, #tpu.memory_space<vmem>>) target(%dma_start3A_202 : memref<32768xf32, #tpu.memory_space<hbm>>) target_semaphore(%arg10 : memref<!tpu.dma_semaphore, #tpu.memory_space<semaphore_mem>>)
    %dma_wait3A_203 = arith.constant 0 : i32
    %dma_wait3A_204 = tpu.memref_slice %arg3[%add3A_196, %dma_wait3A_203] : memref<128x32768xf32, #tpu.memory_space<hbm>> -> memref<1x32768xf32, #tpu.memory_space<hbm>>
    %dma_wait3A_205 = tpu.memref_squeeze %dma_wait3A_204 : memref<1x32768xf32, #tpu.memory_space<hbm>> -> memref<32768xf32, #tpu.memory_space<hbm>>
    %dma_wait3A_206 = arith.constant 0 : i32
    %dma_wait3A_207 = tpu.memref_slice %arg3[%add3A_196, %dma_wait3A_206] : memref<128x32768xf32, #tpu.memory_space<hbm>> -> memref<1x32768xf32, #tpu.memory_space<hbm>>
    %dma_wait3A_208 = tpu.memref_squeeze %dma_wait3A_207 : memref<1x32768xf32, #tpu.memory_space<hbm>> -> memref<32768xf32, #tpu.memory_space<hbm>>
    tpu.wait_dma2 semaphore(%arg10 : memref<!tpu.dma_semaphore, #tpu.memory_space<semaphore_mem>>) src(%arg5 : memref<32768xf32, #tpu.memory_space<vmem>>) dst(%dma_wait3A_208 : memref<32768xf32, #tpu.memory_space<hbm>>)
    %add3A_209 = arith.constant 2 : i32
    %add3A_210 = arith.addi %mul3A_2, %add3A_209 : i32
    %add3A_211 = arith.constant 1 : i32
    %add3A_212 = arith.addi %add3A_210, %add3A_211 : i32
    %dma_start3A_213 = arith.constant 0 : i32
    %dma_start3A_214 = tpu.memref_slice %arg2[%add3A_212, %dma_start3A_213] : memref<128x32768xf32, #tpu.memory_space<hbm>> -> memref<1x32768xf32, #tpu.memory_space<hbm>>
    %dma_start3A_215 = tpu.memref_squeeze %dma_start3A_214 : memref<1x32768xf32, #tpu.memory_space<hbm>> -> memref<32768xf32, #tpu.memory_space<hbm>>
    %dma_start3A_216 = arith.constant 0 : i32
    %dma_start3A_217 = tpu.memref_slice %arg2[%add3A_212, %dma_start3A_216] : memref<128x32768xf32, #tpu.memory_space<hbm>> -> memref<1x32768xf32, #tpu.memory_space<hbm>>
    %dma_start3A_218 = tpu.memref_squeeze %dma_start3A_217 : memref<1x32768xf32, #tpu.memory_space<hbm>> -> memref<32768xf32, #tpu.memory_space<hbm>>
    tpu.enqueue_dma source(%dma_start3A_218 : memref<32768xf32, #tpu.memory_space<hbm>>) target(%arg5 : memref<32768xf32, #tpu.memory_space<vmem>>) target_semaphore(%arg8 : memref<!tpu.dma_semaphore, #tpu.memory_space<semaphore_mem>>)
    %dma_wait3A_219 = arith.constant 0 : i32
    %dma_wait3A_220 = tpu.memref_slice %arg2[%add3A_106, %dma_wait3A_219] : memref<128x32768xf32, #tpu.memory_space<hbm>> -> memref<1x32768xf32, #tpu.memory_space<hbm>>
    %dma_wait3A_221 = tpu.memref_squeeze %dma_wait3A_220 : memref<1x32768xf32, #tpu.memory_space<hbm>> -> memref<32768xf32, #tpu.memory_space<hbm>>
    %dma_wait3A_222 = arith.constant 0 : i32
    %dma_wait3A_223 = tpu.memref_slice %arg2[%add3A_106, %dma_wait3A_222] : memref<128x32768xf32, #tpu.memory_space<hbm>> -> memref<1x32768xf32, #tpu.memory_space<hbm>>
    %dma_wait3A_224 = tpu.memref_squeeze %dma_wait3A_223 : memref<1x32768xf32, #tpu.memory_space<hbm>> -> memref<32768xf32, #tpu.memory_space<hbm>>
    tpu.wait_dma2 semaphore(%arg7 : memref<!tpu.dma_semaphore, #tpu.memory_space<semaphore_mem>>) src(%dma_wait3A_224 : memref<32768xf32, #tpu.memory_space<hbm>>) dst(%arg4 : memref<32768xf32, #tpu.memory_space<vmem>>)
    %iota3A_225 = tpu.iota {dimensions = array<i32: 0>} : vector<16xi32>
    %broadcast_in_dim3A_226 = arith.constant 0.000000e+00 : f32
    %broadcast_in_dim3A_227 = vector.broadcast %broadcast_in_dim3A_226 : f32 to vector<16xf32>
    %broadcast_in_dim3A_228 = arith.constant 0 : i32
    %broadcast_in_dim3A_229 = vector.broadcast %broadcast_in_dim3A_228 : i32 to vector<16xi32>
    %broadcast_in_dim3A_230 = arith.constant 1 : i32
    %broadcast_in_dim3A_231 = vector.broadcast %broadcast_in_dim3A_230 : i32 to vector<16xi32>
    %broadcast_in_dim3A_232 = arith.constant -3.000000e+38 : f32
    %broadcast_in_dim3A_233 = vector.broadcast %broadcast_in_dim3A_232 : f32 to vector<16xf32>
    %sub3A_234 = arith.constant 1 : i32
    %sub3A_235 = vector.broadcast %sub3A_234 : i32 to vector<16xi32>
    %sub3A_236 = arith.subi %broadcast_in_dim3A_229, %sub3A_235 : vector<16xi32>
    %parallel_loop3A_237 = arith.constant 0 : i32
    %parallel_loop3A_238 = arith.constant 2048 : i32
    %parallel_loop3A_239 = arith.constant 1 : i32
    %parallel_loop3A_240:2 = scf.for %parallel_loop3A_411 = %parallel_loop3A_237 to %parallel_loop3A_238 step %parallel_loop3A_239 iter_args(%parallel_loop3A_412 = %sub3A_236, %parallel_loop3A_413 = %broadcast_in_dim3A_233) -> (vector<16xi32>, vector<16xf32>)  : i32 {
      %parallel_loop3A_414 = arith.constant 0 : i32
      %parallel_loop3A_415 = arith.addi %parallel_loop3A_411, %parallel_loop3A_414 : i32
      %parallel_loop3A_416 = arith.constant 16 : i32
      %parallel_loop3A_417 = arith.muli %parallel_loop3A_415, %parallel_loop3A_416 : i32
      %parallel_loop3A_418 = arith.index_cast %parallel_loop3A_417 : i32 to index
      %parallel_loop3A_419 = tpu.vector_load %arg4[%parallel_loop3A_418] {strides = array<i32>} : memref<32768xf32, #tpu.memory_space<vmem>>, vector<16xf32>,
      %parallel_loop3A_420 = arith.constant 1.000000e+00 : f32
      %parallel_loop3A_421 = vector.broadcast %parallel_loop3A_420 : f32 to vector<16xf32>
      %parallel_loop3A_422 = arith.subf %parallel_loop3A_413, %parallel_loop3A_421 : vector<16xf32>
      %parallel_loop3A_423 = arith.cmpf ogt, %parallel_loop3A_419, %parallel_loop3A_422 : vector<16xf32>
      %parallel_loop3A_424 = tpu.scan <sum>, %broadcast_in_dim3A_231 masked %parallel_loop3A_423 : vector<16xi32>, vector<16xi1> -> vector<16xi32>
      %parallel_loop3A_425 = arith.addi %parallel_loop3A_412, %parallel_loop3A_424 : vector<16xi32>
      tpu.vector_store_idx %arg6[%parallel_loop3A_425], %parallel_loop3A_419 masked %parallel_loop3A_423 : memref<32784xf32, #tpu.memory_space<vmem>>[vector<16xi32>], vector<16xf32>, vector<16xi1>
      %parallel_loop3A_426 = tpu.all_reduce %parallel_loop3A_423 {dim = 0 : i64, kind = #tpu.reduction_kind<sum>} : vector<16xi1> -> vector<16xi32>
      %parallel_loop3A_427 = arith.addi %parallel_loop3A_412, %parallel_loop3A_426 : vector<16xi32>
      %parallel_loop3A_428 = arith.maximumf %parallel_loop3A_413, %parallel_loop3A_419 : vector<16xf32>
      scf.yield %parallel_loop3A_427, %parallel_loop3A_428 : vector<16xi32>, vector<16xf32>
    } {sc.loop_unroll_factor = 8 : i64, sc.parallel_access}
    %reduce_max3A_241 = arith.constant true
    %reduce_max3A_242 = vector.broadcast %reduce_max3A_241 : i1 to vector<16xi1>
    %reduce_max3A_243 = tpu.scan <max>, %parallel_loop3A_240#1 masked %reduce_max3A_242 : vector<16xf32>, vector<16xi1> -> vector<16xf32>
    %reduce_max3A_244 = vector.extract %reduce_max3A_243[15] : f32 from vector<16xf32>
    %broadcast_in_dim3A_245 = vector.broadcast %reduce_max3A_244 : f32 to vector<16xf32>
    %sub3A_246 = arith.constant 1.000000e+00 : f32
    %sub3A_247 = vector.broadcast %sub3A_246 : f32 to vector<16xf32>
    %sub3A_248 = arith.subf %broadcast_in_dim3A_245, %sub3A_247 : vector<16xf32>
    %add3A_249 = arith.constant 1 : i32
    %add3A_250 = vector.broadcast %add3A_249 : i32 to vector<16xi32>
    %add3A_251 = arith.addi %parallel_loop3A_240#0, %add3A_250 : vector<16xi32>
    %add3A_252 = arith.addi %add3A_251, %iota3A_225 : vector<16xi32>
    %sub3A_253 = arith.constant 1.000000e+00 : f32
    %sub3A_254 = vector.broadcast %sub3A_253 : f32 to vector<16xf32>
    %sub3A_255 = arith.subf %sub3A_248, %sub3A_254 : vector<16xf32>
    tpu.vector_store_idx %arg6[%add3A_252], %sub3A_255 : memref<32784xf32, #tpu.memory_space<vmem>>[vector<16xi32>], vector<16xf32>,
    %reduce_max3A_256 = arith.constant true
    %reduce_max3A_257 = vector.broadcast %reduce_max3A_256 : i1 to vector<16xi1>
    %reduce_max3A_258 = arith.constant -2147483648 : i32
    %reduce_max3A_259 = vector.broadcast %reduce_max3A_258 : i32 to vector<16xi32>
    %reduce_max3A_260 = arith.xori %parallel_loop3A_240#0, %reduce_max3A_259 : vector<16xi32>
    %reduce_max3A_261 = tpu.scan <max>, %reduce_max3A_260 masked %reduce_max3A_257 : vector<16xi32>, vector<16xi1> -> vector<16xi32>
    %reduce_max3A_262 = arith.xori %reduce_max3A_261, %reduce_max3A_259 : vector<16xi32>
    %reduce_max3A_263 = vector.extract %reduce_max3A_262[15] : i32 from vector<16xi32>
    %add3A_264 = arith.constant 16 : i32
    %add3A_265 = arith.addi %reduce_max3A_263, %add3A_264 : i32
    %shift_right_logical3A_266 = arith.constant 4 : i32
    %shift_right_logical3A_267 = arith.shrui %add3A_265, %shift_right_logical3A_266 : i32
    %while3A_268 = arith.constant 0 : i32
    %while3A_269 = arith.subi %shift_right_logical3A_267, %while3A_268 : i32
    %while3A_270 = arith.addi %while3A_268, %while3A_269 : i32
    %while3A_271 = arith.constant 1 : i32
    %while3A_272 = arith.divsi %while3A_269, %while3A_271 : i32
    %while3A_273 = arith.muli %while3A_272, %while3A_271 : i32
    %while3A_274 = arith.addi %while3A_268, %while3A_273 : i32
    %while3A_275 = arith.constant 1 : i32
    %while3A_276:2 = scf.for %while3A_411 = %while3A_268 to %while3A_274 step %while3A_275 iter_args(%while3A_412 = %broadcast_in_dim3A_227, %while3A_413 = %broadcast_in_dim3A_227) -> (vector<16xf32>, vector<16xf32>)  : i32 {
      %mul3A_414 = arith.constant 16 : i32
      %mul3A_415 = arith.muli %while3A_411, %mul3A_414 : i32
      %get3A = arith.index_cast %mul3A_415 : i32 to index
      %get3A_416 = tpu.vector_load %arg6[%get3A] {strides = array<i32>} : memref<32784xf32, #tpu.memory_space<vmem>>, vector<16xf32>,
      %gt3A = arith.cmpf ogt, %get3A_416, %sub3A_248 : vector<16xf32>
      %select_n3A = arith.select %gt3A, %get3A_416, %broadcast_in_dim3A_227 : vector<16xi1>, vector<16xf32>
      %add3A_417 = arith.addf %while3A_412, %select_n3A : vector<16xf32>
      %mul3A_418 = arith.constant 0.000000e+00 : f32
      %mul3A_419 = vector.broadcast %mul3A_418 : f32 to vector<16xf32>
      %mul3A_420 = arith.mulf %get3A_416, %mul3A_419 : vector<16xf32>
      %add3A_421 = arith.constant 1.000000e+00 : f32
      %add3A_422 = vector.broadcast %add3A_421 : f32 to vector<16xf32>
      %add3A_423 = arith.addf %mul3A_420, %add3A_422 : vector<16xf32>
      %select_n3A_424 = arith.select %gt3A, %add3A_423, %broadcast_in_dim3A_227 : vector<16xi1>, vector<16xf32>
      %add3A_425 = arith.addf %while3A_413, %select_n3A_424 : vector<16xf32>
      scf.yield %add3A_417, %add3A_425 : vector<16xf32>, vector<16xf32>
    }
    %while3A_277 = arith.constant 1 : i32
    %while3A_278:2 = scf.for %while3A_411 = %while3A_274 to %while3A_270 step %while3A_277 iter_args(%while3A_412 = %while3A_276#0, %while3A_413 = %while3A_276#1) -> (vector<16xf32>, vector<16xf32>)  : i32 {
      %mul3A_414 = arith.constant 16 : i32
      %mul3A_415 = arith.muli %while3A_411, %mul3A_414 : i32
      %get3A = arith.index_cast %mul3A_415 : i32 to index
      %get3A_416 = tpu.vector_load %arg6[%get3A] {strides = array<i32>} : memref<32784xf32, #tpu.memory_space<vmem>>, vector<16xf32>,
      %gt3A = arith.cmpf ogt, %get3A_416, %sub3A_248 : vector<16xf32>
      %select_n3A = arith.select %gt3A, %get3A_416, %broadcast_in_dim3A_227 : vector<16xi1>, vector<16xf32>
      %add3A_417 = arith.addf %while3A_412, %select_n3A : vector<16xf32>
      %mul3A_418 = arith.constant 0.000000e+00 : f32
      %mul3A_419 = vector.broadcast %mul3A_418 : f32 to vector<16xf32>
      %mul3A_420 = arith.mulf %get3A_416, %mul3A_419 : vector<16xf32>
      %add3A_421 = arith.constant 1.000000e+00 : f32
      %add3A_422 = vector.broadcast %add3A_421 : f32 to vector<16xf32>
      %add3A_423 = arith.addf %mul3A_420, %add3A_422 : vector<16xf32>
      %select_n3A_424 = arith.select %gt3A, %add3A_423, %broadcast_in_dim3A_227 : vector<16xi1>, vector<16xf32>
      %add3A_425 = arith.addf %while3A_413, %select_n3A_424 : vector<16xf32>
      scf.yield %add3A_417, %add3A_425 : vector<16xf32>, vector<16xf32>
    }
    %reduce_sum3A_279 = arith.constant true
    %reduce_sum3A_280 = vector.broadcast %reduce_sum3A_279 : i1 to vector<16xi1>
    %reduce_sum3A_281 = tpu.scan <sum>, %while3A_278#0 masked %reduce_sum3A_280 : vector<16xf32>, vector<16xi1> -> vector<16xf32>
    %reduce_sum3A_282 = vector.extract %reduce_sum3A_281[15] : f32 from vector<16xf32>
    %broadcast_in_dim3A_283 = vector.broadcast %reduce_sum3A_282 : f32 to vector<16xf32>
    %reduce_sum3A_284 = arith.constant true
    %reduce_sum3A_285 = vector.broadcast %reduce_sum3A_284 : i1 to vector<16xi1>
    %reduce_sum3A_286 = tpu.scan <sum>, %while3A_278#1 masked %reduce_sum3A_285 : vector<16xf32>, vector<16xi1> -> vector<16xf32>
    %reduce_sum3A_287 = vector.extract %reduce_sum3A_286[15] : f32 from vector<16xf32>
    %broadcast_in_dim3A_288 = vector.broadcast %reduce_sum3A_287 : f32 to vector<16xf32>
    %max3A_289 = arith.constant 1.000000e+00 : f32
    %max3A_290 = vector.broadcast %max3A_289 : f32 to vector<16xf32>
    %max3A_291 = arith.maximumf %broadcast_in_dim3A_288, %max3A_290 : vector<16xf32>
    %sub3A_292 = arith.constant 1.000000e+00 : f32
    %sub3A_293 = vector.broadcast %sub3A_292 : f32 to vector<16xf32>
    %sub3A_294 = arith.subf %broadcast_in_dim3A_283, %sub3A_293 : vector<16xf32>
    %div3A_295 = arith.divf %sub3A_294, %max3A_291 : vector<16xf32>
    %while3A_296 = arith.constant 0 : i32
    %while3A_297:3 = scf.while (%while3A_411 = %div3A_295, %while3A_412 = %sub3A_248, %while3A_413 = %while3A_296) : (vector<16xf32>, vector<16xf32>, i32) -> (vector<16xf32>, vector<16xf32>, i32) {
      %lt3A = arith.constant 32 : i32
      %lt3A_414 = arith.cmpi slt, %while3A_413, %lt3A : i32
      %ne3A = arith.cmpf one, %while3A_411, %while3A_412 : vector<16xf32>
      %reduce_or3A = arith.constant 1.000000e+00 : f32
      %reduce_or3A_415 = arith.constant 0.000000e+00 : f32
      %reduce_or3A_416 = vector.broadcast %reduce_or3A : f32 to vector<16xf32>
      %reduce_or3A_417 = vector.broadcast %reduce_or3A_415 : f32 to vector<16xf32>
      %reduce_or3A_418 = arith.select %ne3A, %reduce_or3A_416, %reduce_or3A_417 : vector<16xi1>, vector<16xf32>
      %reduce_or3A_419 = arith.constant true
      %reduce_or3A_420 = vector.broadcast %reduce_or3A_419 : i1 to vector<16xi1>
      %reduce_or3A_421 = tpu.scan <max>, %reduce_or3A_418 masked %reduce_or3A_420 : vector<16xf32>, vector<16xi1> -> vector<16xf32>
      %reduce_or3A_422 = vector.extract %reduce_or3A_421[15] : f32 from vector<16xf32>
      %reduce_or3A_423 = arith.constant 0.000000e+00 : f32
      %reduce_or3A_424 = arith.cmpf ogt, %reduce_or3A_422, %reduce_or3A_423 : f32
      %and3A = arith.andi %lt3A_414, %reduce_or3A_424 : i1
      scf.condition(%and3A) %while3A_411, %while3A_412, %while3A_413 : vector<16xf32>, vector<16xf32>, i32
    } do {
    ^bb0(%while3A_411: vector<16xf32>, %while3A_412: vector<16xf32>, %while3A_413: i32):
      %while3A_414 = arith.constant 0 : i32
      %while3A_415 = arith.subi %shift_right_logical3A_267, %while3A_414 : i32
      %while3A_416 = arith.addi %while3A_414, %while3A_415 : i32
      %while3A_417 = arith.constant 1 : i32
      %while3A_418 = arith.divsi %while3A_415, %while3A_417 : i32
      %while3A_419 = arith.muli %while3A_418, %while3A_417 : i32
      %while3A_420 = arith.addi %while3A_414, %while3A_419 : i32
      %while3A_421 = arith.constant 1 : i32
      %while3A_422:2 = scf.for %while3A_444 = %while3A_414 to %while3A_420 step %while3A_421 iter_args(%while3A_445 = %broadcast_in_dim3A_227, %while3A_446 = %broadcast_in_dim3A_227) -> (vector<16xf32>, vector<16xf32>)  : i32 {
        %mul3A_447 = arith.constant 16 : i32
        %mul3A_448 = arith.muli %while3A_444, %mul3A_447 : i32
        %get3A = arith.index_cast %mul3A_448 : i32 to index
        %get3A_449 = tpu.vector_load %arg6[%get3A] {strides = array<i32>} : memref<32784xf32, #tpu.memory_space<vmem>>, vector<16xf32>,
        %gt3A = arith.cmpf ogt, %get3A_449, %while3A_411 : vector<16xf32>
        %select_n3A = arith.select %gt3A, %get3A_449, %broadcast_in_dim3A_227 : vector<16xi1>, vector<16xf32>
        %add3A_450 = arith.addf %while3A_445, %select_n3A : vector<16xf32>
        %mul3A_451 = arith.constant 0.000000e+00 : f32
        %mul3A_452 = vector.broadcast %mul3A_451 : f32 to vector<16xf32>
        %mul3A_453 = arith.mulf %get3A_449, %mul3A_452 : vector<16xf32>
        %add3A_454 = arith.constant 1.000000e+00 : f32
        %add3A_455 = vector.broadcast %add3A_454 : f32 to vector<16xf32>
        %add3A_456 = arith.addf %mul3A_453, %add3A_455 : vector<16xf32>
        %select_n3A_457 = arith.select %gt3A, %add3A_456, %broadcast_in_dim3A_227 : vector<16xi1>, vector<16xf32>
        %add3A_458 = arith.addf %while3A_446, %select_n3A_457 : vector<16xf32>
        scf.yield %add3A_450, %add3A_458 : vector<16xf32>, vector<16xf32>
      }
      %while3A_423 = arith.constant 1 : i32
      %while3A_424:2 = scf.for %while3A_444 = %while3A_420 to %while3A_416 step %while3A_423 iter_args(%while3A_445 = %while3A_422#0, %while3A_446 = %while3A_422#1) -> (vector<16xf32>, vector<16xf32>)  : i32 {
        %mul3A_447 = arith.constant 16 : i32
        %mul3A_448 = arith.muli %while3A_444, %mul3A_447 : i32
        %get3A = arith.index_cast %mul3A_448 : i32 to index
        %get3A_449 = tpu.vector_load %arg6[%get3A] {strides = array<i32>} : memref<32784xf32, #tpu.memory_space<vmem>>, vector<16xf32>,
        %gt3A = arith.cmpf ogt, %get3A_449, %while3A_411 : vector<16xf32>
        %select_n3A = arith.select %gt3A, %get3A_449, %broadcast_in_dim3A_227 : vector<16xi1>, vector<16xf32>
        %add3A_450 = arith.addf %while3A_445, %select_n3A : vector<16xf32>
        %mul3A_451 = arith.constant 0.000000e+00 : f32
        %mul3A_452 = vector.broadcast %mul3A_451 : f32 to vector<16xf32>
        %mul3A_453 = arith.mulf %get3A_449, %mul3A_452 : vector<16xf32>
        %add3A_454 = arith.constant 1.000000e+00 : f32
        %add3A_455 = vector.broadcast %add3A_454 : f32 to vector<16xf32>
        %add3A_456 = arith.addf %mul3A_453, %add3A_455 : vector<16xf32>
        %select_n3A_457 = arith.select %gt3A, %add3A_456, %broadcast_in_dim3A_227 : vector<16xi1>, vector<16xf32>
        %add3A_458 = arith.addf %while3A_446, %select_n3A_457 : vector<16xf32>
        scf.yield %add3A_450, %add3A_458 : vector<16xf32>, vector<16xf32>
      }
      %reduce_sum3A_425 = arith.constant true
      %reduce_sum3A_426 = vector.broadcast %reduce_sum3A_425 : i1 to vector<16xi1>
      %reduce_sum3A_427 = tpu.scan <sum>, %while3A_424#0 masked %reduce_sum3A_426 : vector<16xf32>, vector<16xi1> -> vector<16xf32>
      %reduce_sum3A_428 = vector.extract %reduce_sum3A_427[15] : f32 from vector<16xf32>
      %broadcast_in_dim3A_429 = vector.broadcast %reduce_sum3A_428 : f32 to vector<16xf32>
      %reduce_sum3A_430 = arith.constant true
      %reduce_sum3A_431 = vector.broadcast %reduce_sum3A_430 : i1 to vector<16xi1>
      %reduce_sum3A_432 = tpu.scan <sum>, %while3A_424#1 masked %reduce_sum3A_431 : vector<16xf32>, vector<16xi1> -> vector<16xf32>
      %reduce_sum3A_433 = vector.extract %reduce_sum3A_432[15] : f32 from vector<16xf32>
      %broadcast_in_dim3A_434 = vector.broadcast %reduce_sum3A_433 : f32 to vector<16xf32>
      %max3A_435 = arith.constant 1.000000e+00 : f32
      %max3A_436 = vector.broadcast %max3A_435 : f32 to vector<16xf32>
      %max3A_437 = arith.maximumf %broadcast_in_dim3A_434, %max3A_436 : vector<16xf32>
      %sub3A_438 = arith.constant 1.000000e+00 : f32
      %sub3A_439 = vector.broadcast %sub3A_438 : f32 to vector<16xf32>
      %sub3A_440 = arith.subf %broadcast_in_dim3A_429, %sub3A_439 : vector<16xf32>
      %div3A_441 = arith.divf %sub3A_440, %max3A_437 : vector<16xf32>
      %add3A_442 = arith.constant 1 : i32
      %add3A_443 = arith.addi %while3A_413, %add3A_442 : i32
      scf.yield %div3A_441, %while3A_411, %add3A_443 : vector<16xf32>, vector<16xf32>, i32
    }
    %parallel_loop3A_298 = arith.constant 0 : i32
    %parallel_loop3A_299 = arith.constant 2048 : i32
    %parallel_loop3A_300 = arith.constant 1 : i32
    scf.for %parallel_loop3A_411 = %parallel_loop3A_298 to %parallel_loop3A_299 step %parallel_loop3A_300  : i32 {
      %parallel_loop3A_412 = arith.constant 0 : i32
      %parallel_loop3A_413 = arith.addi %parallel_loop3A_411, %parallel_loop3A_412 : i32
      %parallel_loop3A_414 = arith.constant 16 : i32
      %parallel_loop3A_415 = arith.muli %parallel_loop3A_413, %parallel_loop3A_414 : i32
      %parallel_loop3A_416 = arith.index_cast %parallel_loop3A_415 : i32 to index
      %parallel_loop3A_417 = tpu.vector_load %arg4[%parallel_loop3A_416] {strides = array<i32>} : memref<32768xf32, #tpu.memory_space<vmem>>, vector<16xf32>,
      %parallel_loop3A_418 = arith.subf %parallel_loop3A_417, %while3A_297#0 : vector<16xf32>
      %parallel_loop3A_419 = arith.constant 0.000000e+00 : f32
      %parallel_loop3A_420 = vector.broadcast %parallel_loop3A_419 : f32 to vector<16xf32>
      %parallel_loop3A_421 = arith.maximumf %parallel_loop3A_418, %parallel_loop3A_420 : vector<16xf32>
      %parallel_loop3A_422 = arith.constant 0 : i32
      %parallel_loop3A_423 = arith.addi %parallel_loop3A_411, %parallel_loop3A_422 : i32
      %parallel_loop3A_424 = arith.constant 16 : i32
      %parallel_loop3A_425 = arith.muli %parallel_loop3A_423, %parallel_loop3A_424 : i32
      %parallel_loop3A_426 = arith.index_cast %parallel_loop3A_425 : i32 to index
      %parallel_loop3A_427 = tpu.vector_load %arg4[%parallel_loop3A_426] {strides = array<i32>} : memref<32768xf32, #tpu.memory_space<vmem>>, vector<16xf32>,
      tpu.vector_store %arg4[%parallel_loop3A_426], %parallel_loop3A_421 {strides = array<i32>} : memref<32768xf32, #tpu.memory_space<vmem>>, vector<16xf32>,
    } {sc.loop_unroll_factor = 8 : i64, sc.parallel_access}
    %add3A_301 = arith.constant 2 : i32
    %add3A_302 = arith.addi %mul3A_2, %add3A_301 : i32
    %dma_start3A_303 = arith.constant 0 : i32
    %dma_start3A_304 = tpu.memref_slice %arg3[%add3A_302, %dma_start3A_303] : memref<128x32768xf32, #tpu.memory_space<hbm>> -> memref<1x32768xf32, #tpu.memory_space<hbm>>
    %dma_start3A_305 = tpu.memref_squeeze %dma_start3A_304 : memref<1x32768xf32, #tpu.memory_space<hbm>> -> memref<32768xf32, #tpu.memory_space<hbm>>
    %dma_start3A_306 = arith.constant 0 : i32
    %dma_start3A_307 = tpu.memref_slice %arg3[%add3A_302, %dma_start3A_306] : memref<128x32768xf32, #tpu.memory_space<hbm>> -> memref<1x32768xf32, #tpu.memory_space<hbm>>
    %dma_start3A_308 = tpu.memref_squeeze %dma_start3A_307 : memref<1x32768xf32, #tpu.memory_space<hbm>> -> memref<32768xf32, #tpu.memory_space<hbm>>
    tpu.enqueue_dma source(%arg4 : memref<32768xf32, #tpu.memory_space<vmem>>) target(%dma_start3A_308 : memref<32768xf32, #tpu.memory_space<hbm>>) target_semaphore(%arg9 : memref<!tpu.dma_semaphore, #tpu.memory_space<semaphore_mem>>)
    %dma_wait3A_309 = arith.constant 0 : i32
    %dma_wait3A_310 = tpu.memref_slice %arg2[%add3A_212, %dma_wait3A_309] : memref<128x32768xf32, #tpu.memory_space<hbm>> -> memref<1x32768xf32, #tpu.memory_space<hbm>>
    %dma_wait3A_311 = tpu.memref_squeeze %dma_wait3A_310 : memref<1x32768xf32, #tpu.memory_space<hbm>> -> memref<32768xf32, #tpu.memory_space<hbm>>
    %dma_wait3A_312 = arith.constant 0 : i32
    %dma_wait3A_313 = tpu.memref_slice %arg2[%add3A_212, %dma_wait3A_312] : memref<128x32768xf32, #tpu.memory_space<hbm>> -> memref<1x32768xf32, #tpu.memory_space<hbm>>
    %dma_wait3A_314 = tpu.memref_squeeze %dma_wait3A_313 : memref<1x32768xf32, #tpu.memory_space<hbm>> -> memref<32768xf32, #tpu.memory_space<hbm>>
    tpu.wait_dma2 semaphore(%arg8 : memref<!tpu.dma_semaphore, #tpu.memory_space<semaphore_mem>>) src(%dma_wait3A_314 : memref<32768xf32, #tpu.memory_space<hbm>>) dst(%arg5 : memref<32768xf32, #tpu.memory_space<vmem>>)
    %iota3A_315 = tpu.iota {dimensions = array<i32: 0>} : vector<16xi32>
    %broadcast_in_dim3A_316 = arith.constant 0.000000e+00 : f32
    %broadcast_in_dim3A_317 = vector.broadcast %broadcast_in_dim3A_316 : f32 to vector<16xf32>
    %broadcast_in_dim3A_318 = arith.constant 0 : i32
    %broadcast_in_dim3A_319 = vector.broadcast %broadcast_in_dim3A_318 : i32 to vector<16xi32>
    %broadcast_in_dim3A_320 = arith.constant 1 : i32
    %broadcast_in_dim3A_321 = vector.broadcast %broadcast_in_dim3A_320 : i32 to vector<16xi32>
    %broadcast_in_dim3A_322 = arith.constant -3.000000e+38 : f32
    %broadcast_in_dim3A_323 = vector.broadcast %broadcast_in_dim3A_322 : f32 to vector<16xf32>
    %sub3A_324 = arith.constant 1 : i32
    %sub3A_325 = vector.broadcast %sub3A_324 : i32 to vector<16xi32>
    %sub3A_326 = arith.subi %broadcast_in_dim3A_319, %sub3A_325 : vector<16xi32>
    %parallel_loop3A_327 = arith.constant 0 : i32
    %parallel_loop3A_328 = arith.constant 2048 : i32
    %parallel_loop3A_329 = arith.constant 1 : i32
    %parallel_loop3A_330:2 = scf.for %parallel_loop3A_411 = %parallel_loop3A_327 to %parallel_loop3A_328 step %parallel_loop3A_329 iter_args(%parallel_loop3A_412 = %sub3A_326, %parallel_loop3A_413 = %broadcast_in_dim3A_323) -> (vector<16xi32>, vector<16xf32>)  : i32 {
      %parallel_loop3A_414 = arith.constant 0 : i32
      %parallel_loop3A_415 = arith.addi %parallel_loop3A_411, %parallel_loop3A_414 : i32
      %parallel_loop3A_416 = arith.constant 16 : i32
      %parallel_loop3A_417 = arith.muli %parallel_loop3A_415, %parallel_loop3A_416 : i32
      %parallel_loop3A_418 = arith.index_cast %parallel_loop3A_417 : i32 to index
      %parallel_loop3A_419 = tpu.vector_load %arg5[%parallel_loop3A_418] {strides = array<i32>} : memref<32768xf32, #tpu.memory_space<vmem>>, vector<16xf32>,
      %parallel_loop3A_420 = arith.constant 1.000000e+00 : f32
      %parallel_loop3A_421 = vector.broadcast %parallel_loop3A_420 : f32 to vector<16xf32>
      %parallel_loop3A_422 = arith.subf %parallel_loop3A_413, %parallel_loop3A_421 : vector<16xf32>
      %parallel_loop3A_423 = arith.cmpf ogt, %parallel_loop3A_419, %parallel_loop3A_422 : vector<16xf32>
      %parallel_loop3A_424 = tpu.scan <sum>, %broadcast_in_dim3A_321 masked %parallel_loop3A_423 : vector<16xi32>, vector<16xi1> -> vector<16xi32>
      %parallel_loop3A_425 = arith.addi %parallel_loop3A_412, %parallel_loop3A_424 : vector<16xi32>
      tpu.vector_store_idx %arg6[%parallel_loop3A_425], %parallel_loop3A_419 masked %parallel_loop3A_423 : memref<32784xf32, #tpu.memory_space<vmem>>[vector<16xi32>], vector<16xf32>, vector<16xi1>
      %parallel_loop3A_426 = tpu.all_reduce %parallel_loop3A_423 {dim = 0 : i64, kind = #tpu.reduction_kind<sum>} : vector<16xi1> -> vector<16xi32>
      %parallel_loop3A_427 = arith.addi %parallel_loop3A_412, %parallel_loop3A_426 : vector<16xi32>
      %parallel_loop3A_428 = arith.maximumf %parallel_loop3A_413, %parallel_loop3A_419 : vector<16xf32>
      scf.yield %parallel_loop3A_427, %parallel_loop3A_428 : vector<16xi32>, vector<16xf32>
    } {sc.loop_unroll_factor = 8 : i64, sc.parallel_access}
    %reduce_max3A_331 = arith.constant true
    %reduce_max3A_332 = vector.broadcast %reduce_max3A_331 : i1 to vector<16xi1>
    %reduce_max3A_333 = tpu.scan <max>, %parallel_loop3A_330#1 masked %reduce_max3A_332 : vector<16xf32>, vector<16xi1> -> vector<16xf32>
    %reduce_max3A_334 = vector.extract %reduce_max3A_333[15] : f32 from vector<16xf32>
    %broadcast_in_dim3A_335 = vector.broadcast %reduce_max3A_334 : f32 to vector<16xf32>
    %sub3A_336 = arith.constant 1.000000e+00 : f32
    %sub3A_337 = vector.broadcast %sub3A_336 : f32 to vector<16xf32>
    %sub3A_338 = arith.subf %broadcast_in_dim3A_335, %sub3A_337 : vector<16xf32>
    %add3A_339 = arith.constant 1 : i32
    %add3A_340 = vector.broadcast %add3A_339 : i32 to vector<16xi32>
    %add3A_341 = arith.addi %parallel_loop3A_330#0, %add3A_340 : vector<16xi32>
    %add3A_342 = arith.addi %add3A_341, %iota3A_315 : vector<16xi32>
    %sub3A_343 = arith.constant 1.000000e+00 : f32
    %sub3A_344 = vector.broadcast %sub3A_343 : f32 to vector<16xf32>
    %sub3A_345 = arith.subf %sub3A_338, %sub3A_344 : vector<16xf32>
    tpu.vector_store_idx %arg6[%add3A_342], %sub3A_345 : memref<32784xf32, #tpu.memory_space<vmem>>[vector<16xi32>], vector<16xf32>,
    %reduce_max3A_346 = arith.constant true
    %reduce_max3A_347 = vector.broadcast %reduce_max3A_346 : i1 to vector<16xi1>
    %reduce_max3A_348 = arith.constant -2147483648 : i32
    %reduce_max3A_349 = vector.broadcast %reduce_max3A_348 : i32 to vector<16xi32>
    %reduce_max3A_350 = arith.xori %parallel_loop3A_330#0, %reduce_max3A_349 : vector<16xi32>
    %reduce_max3A_351 = tpu.scan <max>, %reduce_max3A_350 masked %reduce_max3A_347 : vector<16xi32>, vector<16xi1> -> vector<16xi32>
    %reduce_max3A_352 = arith.xori %reduce_max3A_351, %reduce_max3A_349 : vector<16xi32>
    %reduce_max3A_353 = vector.extract %reduce_max3A_352[15] : i32 from vector<16xi32>
    %add3A_354 = arith.constant 16 : i32
    %add3A_355 = arith.addi %reduce_max3A_353, %add3A_354 : i32
    %shift_right_logical3A_356 = arith.constant 4 : i32
    %shift_right_logical3A_357 = arith.shrui %add3A_355, %shift_right_logical3A_356 : i32
    %while3A_358 = arith.constant 0 : i32
    %while3A_359 = arith.subi %shift_right_logical3A_357, %while3A_358 : i32
    %while3A_360 = arith.addi %while3A_358, %while3A_359 : i32
    %while3A_361 = arith.constant 1 : i32
    %while3A_362 = arith.divsi %while3A_359, %while3A_361 : i32
    %while3A_363 = arith.muli %while3A_362, %while3A_361 : i32
    %while3A_364 = arith.addi %while3A_358, %while3A_363 : i32
    %while3A_365 = arith.constant 1 : i32
    %while3A_366:2 = scf.for %while3A_411 = %while3A_358 to %while3A_364 step %while3A_365 iter_args(%while3A_412 = %broadcast_in_dim3A_317, %while3A_413 = %broadcast_in_dim3A_317) -> (vector<16xf32>, vector<16xf32>)  : i32 {
      %mul3A_414 = arith.constant 16 : i32
      %mul3A_415 = arith.muli %while3A_411, %mul3A_414 : i32
      %get3A = arith.index_cast %mul3A_415 : i32 to index
      %get3A_416 = tpu.vector_load %arg6[%get3A] {strides = array<i32>} : memref<32784xf32, #tpu.memory_space<vmem>>, vector<16xf32>,
      %gt3A = arith.cmpf ogt, %get3A_416, %sub3A_338 : vector<16xf32>
      %select_n3A = arith.select %gt3A, %get3A_416, %broadcast_in_dim3A_317 : vector<16xi1>, vector<16xf32>
      %add3A_417 = arith.addf %while3A_412, %select_n3A : vector<16xf32>
      %mul3A_418 = arith.constant 0.000000e+00 : f32
      %mul3A_419 = vector.broadcast %mul3A_418 : f32 to vector<16xf32>
      %mul3A_420 = arith.mulf %get3A_416, %mul3A_419 : vector<16xf32>
      %add3A_421 = arith.constant 1.000000e+00 : f32
      %add3A_422 = vector.broadcast %add3A_421 : f32 to vector<16xf32>
      %add3A_423 = arith.addf %mul3A_420, %add3A_422 : vector<16xf32>
      %select_n3A_424 = arith.select %gt3A, %add3A_423, %broadcast_in_dim3A_317 : vector<16xi1>, vector<16xf32>
      %add3A_425 = arith.addf %while3A_413, %select_n3A_424 : vector<16xf32>
      scf.yield %add3A_417, %add3A_425 : vector<16xf32>, vector<16xf32>
    }
    %while3A_367 = arith.constant 1 : i32
    %while3A_368:2 = scf.for %while3A_411 = %while3A_364 to %while3A_360 step %while3A_367 iter_args(%while3A_412 = %while3A_366#0, %while3A_413 = %while3A_366#1) -> (vector<16xf32>, vector<16xf32>)  : i32 {
      %mul3A_414 = arith.constant 16 : i32
      %mul3A_415 = arith.muli %while3A_411, %mul3A_414 : i32
      %get3A = arith.index_cast %mul3A_415 : i32 to index
      %get3A_416 = tpu.vector_load %arg6[%get3A] {strides = array<i32>} : memref<32784xf32, #tpu.memory_space<vmem>>, vector<16xf32>,
      %gt3A = arith.cmpf ogt, %get3A_416, %sub3A_338 : vector<16xf32>
      %select_n3A = arith.select %gt3A, %get3A_416, %broadcast_in_dim3A_317 : vector<16xi1>, vector<16xf32>
      %add3A_417 = arith.addf %while3A_412, %select_n3A : vector<16xf32>
      %mul3A_418 = arith.constant 0.000000e+00 : f32
      %mul3A_419 = vector.broadcast %mul3A_418 : f32 to vector<16xf32>
      %mul3A_420 = arith.mulf %get3A_416, %mul3A_419 : vector<16xf32>
      %add3A_421 = arith.constant 1.000000e+00 : f32
      %add3A_422 = vector.broadcast %add3A_421 : f32 to vector<16xf32>
      %add3A_423 = arith.addf %mul3A_420, %add3A_422 : vector<16xf32>
      %select_n3A_424 = arith.select %gt3A, %add3A_423, %broadcast_in_dim3A_317 : vector<16xi1>, vector<16xf32>
      %add3A_425 = arith.addf %while3A_413, %select_n3A_424 : vector<16xf32>
      scf.yield %add3A_417, %add3A_425 : vector<16xf32>, vector<16xf32>
    }
    %reduce_sum3A_369 = arith.constant true
    %reduce_sum3A_370 = vector.broadcast %reduce_sum3A_369 : i1 to vector<16xi1>
    %reduce_sum3A_371 = tpu.scan <sum>, %while3A_368#0 masked %reduce_sum3A_370 : vector<16xf32>, vector<16xi1> -> vector<16xf32>
    %reduce_sum3A_372 = vector.extract %reduce_sum3A_371[15] : f32 from vector<16xf32>
    %broadcast_in_dim3A_373 = vector.broadcast %reduce_sum3A_372 : f32 to vector<16xf32>
    %reduce_sum3A_374 = arith.constant true
    %reduce_sum3A_375 = vector.broadcast %reduce_sum3A_374 : i1 to vector<16xi1>
    %reduce_sum3A_376 = tpu.scan <sum>, %while3A_368#1 masked %reduce_sum3A_375 : vector<16xf32>, vector<16xi1> -> vector<16xf32>
    %reduce_sum3A_377 = vector.extract %reduce_sum3A_376[15] : f32 from vector<16xf32>
    %broadcast_in_dim3A_378 = vector.broadcast %reduce_sum3A_377 : f32 to vector<16xf32>
    %max3A_379 = arith.constant 1.000000e+00 : f32
    %max3A_380 = vector.broadcast %max3A_379 : f32 to vector<16xf32>
    %max3A_381 = arith.maximumf %broadcast_in_dim3A_378, %max3A_380 : vector<16xf32>
    %sub3A_382 = arith.constant 1.000000e+00 : f32
    %sub3A_383 = vector.broadcast %sub3A_382 : f32 to vector<16xf32>
    %sub3A_384 = arith.subf %broadcast_in_dim3A_373, %sub3A_383 : vector<16xf32>
    %div3A_385 = arith.divf %sub3A_384, %max3A_381 : vector<16xf32>
    %while3A_386 = arith.constant 0 : i32
    %while3A_387:3 = scf.while (%while3A_411 = %div3A_385, %while3A_412 = %sub3A_338, %while3A_413 = %while3A_386) : (vector<16xf32>, vector<16xf32>, i32) -> (vector<16xf32>, vector<16xf32>, i32) {
      %lt3A = arith.constant 32 : i32
      %lt3A_414 = arith.cmpi slt, %while3A_413, %lt3A : i32
      %ne3A = arith.cmpf one, %while3A_411, %while3A_412 : vector<16xf32>
      %reduce_or3A = arith.constant 1.000000e+00 : f32
      %reduce_or3A_415 = arith.constant 0.000000e+00 : f32
      %reduce_or3A_416 = vector.broadcast %reduce_or3A : f32 to vector<16xf32>
      %reduce_or3A_417 = vector.broadcast %reduce_or3A_415 : f32 to vector<16xf32>
      %reduce_or3A_418 = arith.select %ne3A, %reduce_or3A_416, %reduce_or3A_417 : vector<16xi1>, vector<16xf32>
      %reduce_or3A_419 = arith.constant true
      %reduce_or3A_420 = vector.broadcast %reduce_or3A_419 : i1 to vector<16xi1>
      %reduce_or3A_421 = tpu.scan <max>, %reduce_or3A_418 masked %reduce_or3A_420 : vector<16xf32>, vector<16xi1> -> vector<16xf32>
      %reduce_or3A_422 = vector.extract %reduce_or3A_421[15] : f32 from vector<16xf32>
      %reduce_or3A_423 = arith.constant 0.000000e+00 : f32
      %reduce_or3A_424 = arith.cmpf ogt, %reduce_or3A_422, %reduce_or3A_423 : f32
      %and3A = arith.andi %lt3A_414, %reduce_or3A_424 : i1
      scf.condition(%and3A) %while3A_411, %while3A_412, %while3A_413 : vector<16xf32>, vector<16xf32>, i32
    } do {
    ^bb0(%while3A_411: vector<16xf32>, %while3A_412: vector<16xf32>, %while3A_413: i32):
      %while3A_414 = arith.constant 0 : i32
      %while3A_415 = arith.subi %shift_right_logical3A_357, %while3A_414 : i32
      %while3A_416 = arith.addi %while3A_414, %while3A_415 : i32
      %while3A_417 = arith.constant 1 : i32
      %while3A_418 = arith.divsi %while3A_415, %while3A_417 : i32
      %while3A_419 = arith.muli %while3A_418, %while3A_417 : i32
      %while3A_420 = arith.addi %while3A_414, %while3A_419 : i32
      %while3A_421 = arith.constant 1 : i32
      %while3A_422:2 = scf.for %while3A_444 = %while3A_414 to %while3A_420 step %while3A_421 iter_args(%while3A_445 = %broadcast_in_dim3A_317, %while3A_446 = %broadcast_in_dim3A_317) -> (vector<16xf32>, vector<16xf32>)  : i32 {
        %mul3A_447 = arith.constant 16 : i32
        %mul3A_448 = arith.muli %while3A_444, %mul3A_447 : i32
        %get3A = arith.index_cast %mul3A_448 : i32 to index
        %get3A_449 = tpu.vector_load %arg6[%get3A] {strides = array<i32>} : memref<32784xf32, #tpu.memory_space<vmem>>, vector<16xf32>,
        %gt3A = arith.cmpf ogt, %get3A_449, %while3A_411 : vector<16xf32>
        %select_n3A = arith.select %gt3A, %get3A_449, %broadcast_in_dim3A_317 : vector<16xi1>, vector<16xf32>
        %add3A_450 = arith.addf %while3A_445, %select_n3A : vector<16xf32>
        %mul3A_451 = arith.constant 0.000000e+00 : f32
        %mul3A_452 = vector.broadcast %mul3A_451 : f32 to vector<16xf32>
        %mul3A_453 = arith.mulf %get3A_449, %mul3A_452 : vector<16xf32>
        %add3A_454 = arith.constant 1.000000e+00 : f32
        %add3A_455 = vector.broadcast %add3A_454 : f32 to vector<16xf32>
        %add3A_456 = arith.addf %mul3A_453, %add3A_455 : vector<16xf32>
        %select_n3A_457 = arith.select %gt3A, %add3A_456, %broadcast_in_dim3A_317 : vector<16xi1>, vector<16xf32>
        %add3A_458 = arith.addf %while3A_446, %select_n3A_457 : vector<16xf32>
        scf.yield %add3A_450, %add3A_458 : vector<16xf32>, vector<16xf32>
      }
      %while3A_423 = arith.constant 1 : i32
      %while3A_424:2 = scf.for %while3A_444 = %while3A_420 to %while3A_416 step %while3A_423 iter_args(%while3A_445 = %while3A_422#0, %while3A_446 = %while3A_422#1) -> (vector<16xf32>, vector<16xf32>)  : i32 {
        %mul3A_447 = arith.constant 16 : i32
        %mul3A_448 = arith.muli %while3A_444, %mul3A_447 : i32
        %get3A = arith.index_cast %mul3A_448 : i32 to index
        %get3A_449 = tpu.vector_load %arg6[%get3A] {strides = array<i32>} : memref<32784xf32, #tpu.memory_space<vmem>>, vector<16xf32>,
        %gt3A = arith.cmpf ogt, %get3A_449, %while3A_411 : vector<16xf32>
        %select_n3A = arith.select %gt3A, %get3A_449, %broadcast_in_dim3A_317 : vector<16xi1>, vector<16xf32>
        %add3A_450 = arith.addf %while3A_445, %select_n3A : vector<16xf32>
        %mul3A_451 = arith.constant 0.000000e+00 : f32
        %mul3A_452 = vector.broadcast %mul3A_451 : f32 to vector<16xf32>
        %mul3A_453 = arith.mulf %get3A_449, %mul3A_452 : vector<16xf32>
        %add3A_454 = arith.constant 1.000000e+00 : f32
        %add3A_455 = vector.broadcast %add3A_454 : f32 to vector<16xf32>
        %add3A_456 = arith.addf %mul3A_453, %add3A_455 : vector<16xf32>
        %select_n3A_457 = arith.select %gt3A, %add3A_456, %broadcast_in_dim3A_317 : vector<16xi1>, vector<16xf32>
        %add3A_458 = arith.addf %while3A_446, %select_n3A_457 : vector<16xf32>
        scf.yield %add3A_450, %add3A_458 : vector<16xf32>, vector<16xf32>
      }
      %reduce_sum3A_425 = arith.constant true
      %reduce_sum3A_426 = vector.broadcast %reduce_sum3A_425 : i1 to vector<16xi1>
      %reduce_sum3A_427 = tpu.scan <sum>, %while3A_424#0 masked %reduce_sum3A_426 : vector<16xf32>, vector<16xi1> -> vector<16xf32>
      %reduce_sum3A_428 = vector.extract %reduce_sum3A_427[15] : f32 from vector<16xf32>
      %broadcast_in_dim3A_429 = vector.broadcast %reduce_sum3A_428 : f32 to vector<16xf32>
      %reduce_sum3A_430 = arith.constant true
      %reduce_sum3A_431 = vector.broadcast %reduce_sum3A_430 : i1 to vector<16xi1>
      %reduce_sum3A_432 = tpu.scan <sum>, %while3A_424#1 masked %reduce_sum3A_431 : vector<16xf32>, vector<16xi1> -> vector<16xf32>
      %reduce_sum3A_433 = vector.extract %reduce_sum3A_432[15] : f32 from vector<16xf32>
      %broadcast_in_dim3A_434 = vector.broadcast %reduce_sum3A_433 : f32 to vector<16xf32>
      %max3A_435 = arith.constant 1.000000e+00 : f32
      %max3A_436 = vector.broadcast %max3A_435 : f32 to vector<16xf32>
      %max3A_437 = arith.maximumf %broadcast_in_dim3A_434, %max3A_436 : vector<16xf32>
      %sub3A_438 = arith.constant 1.000000e+00 : f32
      %sub3A_439 = vector.broadcast %sub3A_438 : f32 to vector<16xf32>
      %sub3A_440 = arith.subf %broadcast_in_dim3A_429, %sub3A_439 : vector<16xf32>
      %div3A_441 = arith.divf %sub3A_440, %max3A_437 : vector<16xf32>
      %add3A_442 = arith.constant 1 : i32
      %add3A_443 = arith.addi %while3A_413, %add3A_442 : i32
      scf.yield %div3A_441, %while3A_411, %add3A_443 : vector<16xf32>, vector<16xf32>, i32
    }
    %parallel_loop3A_388 = arith.constant 0 : i32
    %parallel_loop3A_389 = arith.constant 2048 : i32
    %parallel_loop3A_390 = arith.constant 1 : i32
    scf.for %parallel_loop3A_411 = %parallel_loop3A_388 to %parallel_loop3A_389 step %parallel_loop3A_390  : i32 {
      %parallel_loop3A_412 = arith.constant 0 : i32
      %parallel_loop3A_413 = arith.addi %parallel_loop3A_411, %parallel_loop3A_412 : i32
      %parallel_loop3A_414 = arith.constant 16 : i32
      %parallel_loop3A_415 = arith.muli %parallel_loop3A_413, %parallel_loop3A_414 : i32
      %parallel_loop3A_416 = arith.index_cast %parallel_loop3A_415 : i32 to index
      %parallel_loop3A_417 = tpu.vector_load %arg5[%parallel_loop3A_416] {strides = array<i32>} : memref<32768xf32, #tpu.memory_space<vmem>>, vector<16xf32>,
      %parallel_loop3A_418 = arith.subf %parallel_loop3A_417, %while3A_387#0 : vector<16xf32>
      %parallel_loop3A_419 = arith.constant 0.000000e+00 : f32
      %parallel_loop3A_420 = vector.broadcast %parallel_loop3A_419 : f32 to vector<16xf32>
      %parallel_loop3A_421 = arith.maximumf %parallel_loop3A_418, %parallel_loop3A_420 : vector<16xf32>
      %parallel_loop3A_422 = arith.constant 0 : i32
      %parallel_loop3A_423 = arith.addi %parallel_loop3A_411, %parallel_loop3A_422 : i32
      %parallel_loop3A_424 = arith.constant 16 : i32
      %parallel_loop3A_425 = arith.muli %parallel_loop3A_423, %parallel_loop3A_424 : i32
      %parallel_loop3A_426 = arith.index_cast %parallel_loop3A_425 : i32 to index
      %parallel_loop3A_427 = tpu.vector_load %arg5[%parallel_loop3A_426] {strides = array<i32>} : memref<32768xf32, #tpu.memory_space<vmem>>, vector<16xf32>,
      tpu.vector_store %arg5[%parallel_loop3A_426], %parallel_loop3A_421 {strides = array<i32>} : memref<32768xf32, #tpu.memory_space<vmem>>, vector<16xf32>,
    } {sc.loop_unroll_factor = 8 : i64, sc.parallel_access}
    %add3A_391 = arith.constant 3 : i32
    %add3A_392 = arith.addi %mul3A_2, %add3A_391 : i32
    %dma_start3A_393 = arith.constant 0 : i32
    %dma_start3A_394 = tpu.memref_slice %arg3[%add3A_392, %dma_start3A_393] : memref<128x32768xf32, #tpu.memory_space<hbm>> -> memref<1x32768xf32, #tpu.memory_space<hbm>>
    %dma_start3A_395 = tpu.memref_squeeze %dma_start3A_394 : memref<1x32768xf32, #tpu.memory_space<hbm>> -> memref<32768xf32, #tpu.memory_space<hbm>>
    %dma_start3A_396 = arith.constant 0 : i32
    %dma_start3A_397 = tpu.memref_slice %arg3[%add3A_392, %dma_start3A_396] : memref<128x32768xf32, #tpu.memory_space<hbm>> -> memref<1x32768xf32, #tpu.memory_space<hbm>>
    %dma_start3A_398 = tpu.memref_squeeze %dma_start3A_397 : memref<1x32768xf32, #tpu.memory_space<hbm>> -> memref<32768xf32, #tpu.memory_space<hbm>>
    tpu.enqueue_dma source(%arg5 : memref<32768xf32, #tpu.memory_space<vmem>>) target(%dma_start3A_398 : memref<32768xf32, #tpu.memory_space<hbm>>) target_semaphore(%arg10 : memref<!tpu.dma_semaphore, #tpu.memory_space<semaphore_mem>>)
    %dma_wait3A_399 = arith.constant 0 : i32
    %dma_wait3A_400 = tpu.memref_slice %arg3[%add3A_302, %dma_wait3A_399] : memref<128x32768xf32, #tpu.memory_space<hbm>> -> memref<1x32768xf32, #tpu.memory_space<hbm>>
    %dma_wait3A_401 = tpu.memref_squeeze %dma_wait3A_400 : memref<1x32768xf32, #tpu.memory_space<hbm>> -> memref<32768xf32, #tpu.memory_space<hbm>>
    %dma_wait3A_402 = arith.constant 0 : i32
    %dma_wait3A_403 = tpu.memref_slice %arg3[%add3A_302, %dma_wait3A_402] : memref<128x32768xf32, #tpu.memory_space<hbm>> -> memref<1x32768xf32, #tpu.memory_space<hbm>>
    %dma_wait3A_404 = tpu.memref_squeeze %dma_wait3A_403 : memref<1x32768xf32, #tpu.memory_space<hbm>> -> memref<32768xf32, #tpu.memory_space<hbm>>
    tpu.wait_dma2 semaphore(%arg9 : memref<!tpu.dma_semaphore, #tpu.memory_space<semaphore_mem>>) src(%arg4 : memref<32768xf32, #tpu.memory_space<vmem>>) dst(%dma_wait3A_404 : memref<32768xf32, #tpu.memory_space<hbm>>)
    %dma_wait3A_405 = arith.constant 0 : i32
    %dma_wait3A_406 = tpu.memref_slice %arg3[%add3A_392, %dma_wait3A_405] : memref<128x32768xf32, #tpu.memory_space<hbm>> -> memref<1x32768xf32, #tpu.memory_space<hbm>>
    %dma_wait3A_407 = tpu.memref_squeeze %dma_wait3A_406 : memref<1x32768xf32, #tpu.memory_space<hbm>> -> memref<32768xf32, #tpu.memory_space<hbm>>
    %dma_wait3A_408 = arith.constant 0 : i32
    %dma_wait3A_409 = tpu.memref_slice %arg3[%add3A_392, %dma_wait3A_408] : memref<128x32768xf32, #tpu.memory_space<hbm>> -> memref<1x32768xf32, #tpu.memory_space<hbm>>
    %dma_wait3A_410 = tpu.memref_squeeze %dma_wait3A_409 : memref<1x32768xf32, #tpu.memory_space<hbm>> -> memref<32768xf32, #tpu.memory_space<hbm>>
    tpu.wait_dma2 semaphore(%arg10 : memref<!tpu.dma_semaphore, #tpu.memory_space<semaphore_mem>>) src(%arg5 : memref<32768xf32, #tpu.memory_space<vmem>>) dst(%dma_wait3A_410 : memref<32768xf32, #tpu.memory_space<hbm>>)
    return
  }
}

</mosaic_0001>

<sc_bundles>
// kernel: _sparsemax.3.cloned.1.call-start
scs
__scs_entry_jumppad:
0x0: {  	(pc) =	sbr.rel $0x88, $3  }
0x1: {  	(tag) =	ssettag $0x0;
	lr =	simm.s32 $0x1  }
0x2: {  	[smem:$0x3FA0] =	sst lr;
	_ =	strace $0xD0000000  }
0x3: {  	_ = 	snop  }
0x4: {  	_ = 	snop  }
0x5: {  	_ = 	snop  }
0x6: {  	_ = 	snop  }
0x7: {  	_ = 	snop  }
__scs_overlays_trampoline_lowered:
0x8: {  	[smem:$0x3FAF] =	sst s0  }
0x9: {  	[smem:$0x3FB0] =	sst s1  }
0xa: {  	[smem:$0x3FB1] =	sst s2  }
0xb: {  	[smem:$0x3FB2] =	sst s3  }
0xc: {  	[smem:$0x3FB3] =	sst s4  }
0xd: {  	[smem:$0x3FB4] =	sst s5  }
0xe: {  	[smem:$0x3FB5] =	sst s6  }
0xf: {  	[smem:$0x3FB6] =	sst s7  }
0x10: {  	[smem:$0x3FB7] =	sst s8  }
0x11: {  	[smem:$0x3FB8] =	sst s9;
	s0 =	simm.s32 @!p0 $0x0  }
0x12: {  	s1 =	sld [smem:$0x3F9E];
	s0 =	simm.s32 @p0 $0x1  }
0x13: {  	[smem:$0x3FB9] =	sst s0;
	s0 =	simm.s32 @!p1 $0x0  }
0x14: {  	s2 =	sld [smem:$0x3F9D];
	s0 =	simm.s32 @p1 $0x1  }
0x15: {  	[smem:$0x3FBA] =	sst s0;
	s0 =	simm.s32 @!p2 $0x0  }
0x16: {  	s3 =	sld [smem:$0x3FDB];
	s0 =	simm.s32 @p2 $0x1  }
0x17: {  	s4 =	simm.s32 $0x1BF5;
	[smem:$0x3FBC] =	sst s0  }
0x18: {  	s0 =	sld [smem:$0x3F9F];
	_ =	swait.ge [sflag:s4], $0x0  }
0x19: {  	s7 =	sld [smem:$0x3FA0]  }
0x1a: {  	s8 =	sadd.s32 $0xFFFFE003, lr  }
0x1b: {  	s9 =	sadd.s32 $0xFFFFFEF7, lr;
	s5 =	simm.s32 $0xFFFFFFFF;
	p2 =	slt.u32 s8, $0xFFFFF086  }
0x1c: {  	p1 =	slt.u32 s9, $0xF7A;
	s5 =	simm.s32 @!p2 $0x0  }
0x1d: {  	s5 =	simm.s32 @p1 $0x1;
	p0 =	seq.s32 s7, s2  }
0x1e: {  	s7 =	smul.u32 @!p0 $0xF7A, s2;
	p2 =	seq.s32 @!p0 s5, $0x0  }
0x1f: {  	s9 =	smul.u32 $0xF7A, s1;
	s8 =	simm.s32 @!p0 $0x1BF5;
	p2 =	por !p2, p0  }
0x20: {  	[sflag:s8] =	ssyncset.s32 @!p0 $0xFFFFF086;
	s6 =	sadd.s32 @!p0 s3, s7;
	s7 =	simm.s32 @!p0 $0x108  }
0x21: {  	s3 =	sadd.s32 s3, s9;
	s6 =	sadd.s32 @!p0 $0x88, s6;
	s7 =	simm.s32 @p2 $0x1082  }
0x22: {  	[simem:s7], [sflag:s8] =	dma.local @!p0 [hbm:s6], $0xF7A  }
0x23: {  	s9 =	sor.u32 $0xD0000000, s2;
	s6 =	simm.s32 $0x108;
	_ =	swait.ge @!p0 [sflag:s8], $0x0  }
0x24: {  	s3 =	sadd.s32 $0x88, s3;
	s6 =	simm.s32 @!p1 $0x1082;
	[sflag:s4] =	ssyncset.s32 $0xFFFFF086  }
0x25: {  	[simem:s6], [sflag:s4] =	dma.local [hbm:s3], $0xF7A  }
0x26: {  	[smem:$0x3FA0] =	sst s1;
	(tag) =	ssettag s2;
	_ =	strace s9  }
0x27: {  	s1 =	sld [smem:$0x3FB0]  }
0x28: {  	s2 =	sld [smem:$0x3FB1]  }
0x29: {  	s4 =	sld [smem:$0x3FB3]  }
0x2a: {  	p0 =	seq.s32 s5, $0x0;
	s5 =	sld [smem:$0x3FB4]  }
0x2b: {  	s6 =	sld [smem:$0x3FB5]  }
0x2c: {  	s7 =	sld [smem:$0x3FB6]  }
0x2d: {  	s3 =	simm.s32 $0x108;
	s8 =	sld [smem:$0x3FB7]  }
0x2e: {  	s3 =	simm.s32 @!p0 $0x1082;
	s9 =	sld [smem:$0x3FB8]  }
0x2f: {  	lr =	sadd.s32 s0, s3;
	s0 =	sld [smem:$0x3FAF]  }
0x30: {  	s3 =	sld [smem:$0x3FB2]  }
0x31: {  	[smem:$0x3FBB] =	sst s10  }
0x32: {  	s10 =	sld [smem:$0x3FB9];
	_ =	sdelay $0x3  }
0x33: {  	p0 =	seq.s32 s10, $0x1;
	s10 =	sld [smem:$0x3FBB];
	_ =	sdelay $0x3  }
0x34: {  	[smem:$0x3FBB] =	sst s10  }
0x35: {  	s10 =	sld [smem:$0x3FBA];
	_ =	sdelay $0x3  }
0x36: {  	p1 =	seq.s32 s10, $0x1;
	s10 =	sld [smem:$0x3FBB];
	_ =	sdelay $0x3  }
0x37: {  	[smem:$0x3FBB] =	sst s10  }
0x38: {  	s10 =	sld [smem:$0x3FBC]  }
0x39: {  	_ = 	snop;
	(pc) =	sbr.ind lr, $3  }
0x3a: {  	_ = 	snop  }
0x3b: {  	_ = 	snop  }
0x3c: {  	p2 =	seq.s32 s10, $0x1;
	s10 =	sld [smem:$0x3FBB]  }
0x3d: {  	_ =	shalt  }
0x3e: {  	_ =	shalt  }
0x3f: {  	_ =	shalt  }
0x40: {  	_ =	shalt  }
0x41: {  	_ =	shalt  }
0x42: {  	_ =	shalt  }
0x43: {  	_ =	shalt  }
0x44: {  	_ =	shalt  }
0x45: {  	_ =	shalt  }
0x46: {  	_ =	shalt  }
0x47: {  	_ =	shalt  }
0x48: {  	_ =	shalt  }
0x49: {  	_ =	shalt  }
0x4a: {  	_ =	shalt  }
0x4b: {  	_ =	shalt  }
0x4c: {  	_ =	shalt  }
0x4d: {  	_ =	shalt  }
0x4e: {  	_ =	shalt  }
0x4f: {  	_ =	shalt  }
0x50: {  	_ =	shalt  }
0x51: {  	_ =	shalt  }
0x52: {  	_ =	shalt  }
0x53: {  	_ =	shalt  }
0x54: {  	_ =	shalt  }
0x55: {  	_ =	shalt  }
0x56: {  	_ =	shalt  }
0x57: {  	_ =	shalt  }
0x58: {  	_ =	shalt  }
0x59: {  	_ =	shalt  }
0x5a: {  	_ =	shalt  }
0x5b: {  	_ =	shalt  }
0x5c: {  	_ =	shalt  }
0x5d: {  	_ =	shalt  }
0x5e: {  	_ =	shalt  }
0x5f: {  	_ =	shalt  }
0x60: {  	_ =	shalt  }
0x61: {  	_ =	shalt  }
0x62: {  	_ =	shalt  }
0x63: {  	_ =	shalt  }
0x64: {  	_ =	shalt  }
0x65: {  	_ =	shalt  }
0x66: {  	_ =	shalt  }
0x67: {  	_ =	shalt  }
0x68: {  	_ =	shalt  }
0x69: {  	_ =	shalt  }
0x6a: {  	_ =	shalt  }
0x6b: {  	_ =	shalt  }
0x6c: {  	_ =	shalt  }
0x6d: {  	_ =	shalt  }
0x6e: {  	_ =	shalt  }
0x6f: {  	_ =	shalt  }
0x70: {  	_ =	shalt  }
0x71: {  	_ =	shalt  }
0x72: {  	_ =	shalt  }
0x73: {  	_ =	shalt  }
0x74: {  	_ =	shalt  }
0x75: {  	_ =	shalt  }
0x76: {  	_ =	shalt  }
0x77: {  	_ =	shalt  }
0x78: {  	_ =	shalt  }
0x79: {  	_ =	shalt  }
0x7a: {  	_ =	shalt  }
0x7b: {  	_ =	shalt  }
0x7c: {  	_ =	shalt  }
0x7d: {  	_ =	shalt  }
0x7e: {  	_ =	shalt  }
0x7f: {  	_ =	shalt  }
0x80: {  	_ =	shalt  }
0x81: {  	_ =	shalt  }
0x82: {  	_ =	shalt  }
0x83: {  	_ =	shalt  }
0x84: {  	_ =	shalt  }
0x85: {  	_ =	shalt  }
0x86: {  	_ =	shalt  }
0x87: {  	_ =	shalt  }
.Lfunc_end0:
.L_simem_size_0:
called_computation_lowered:
.L_overlay_start_0:
0x88: {  	s2 =	sld [smem:$0x3FD9]  }
0x89: {  	s3 =	sld [smem:$0x3FFE];
	_ =	sdelay $0x1  }
0x8a: {  	s1 =	srdreg.scid  }
0x8b: {  	s0 =	sand.u32 $0x1, s1  }
0x8c: {  	s18 =	sshll.u32 s0, $0xA;
	s2 =	sadd.s32 s3, s2  }
0x8d: {  	s2 =	sadd.s32 s2, s18  }
0x8e: {  	[smem:$0x3FC7] =	sst s2  }
0x8f: {  	_ = 	snop  }
0x90: {  	s2 =	sld [smem:$0x3FC9]  }
0x91: {  	s19 =	sld [smem:$0x3FD0];
	(tm) =	ssettm $0x1  }
0x92: {  	s4 =	sld [smem:$0x3FFB];
	_ =	sdelay $0x3  }
0x93: {  	_ =	strace s4  }
0x94: {  	s4 =	sld [smem:$0x3FFC];
	_ =	sdelay $0x3  }
0x95: {  	_ =	strace s4  }
0x96: {  	s4 =	sld [smem:$0x3FFD];
	_ =	sdelay $0x3  }
0x97: {  	_ =	strace s4  }
0x98: {  	_ =	strace $0x8FFFFFFF  }
0x99: {  	s20 =	sld [smem:$0x3FDB];
	_ =	sdelay $0x1  }
0x9a: {  	s5 =	simm.s32 $_scs_section_size  }
0x9b: {  	s6 =	simm.s32 $_size__tile_overlayer_lowered;
	s7 =	simm.s32 $_tile_overlayer_lowered  }
0x9c: {  	s23 =	simm.s32 $0x1BFF;
	s22 =	sshll.u32 s7, $0x1;
	s4 =	sadd.s32 s5, s20  }
0x9d: {  	s8 =	simm.s32 $0x0;
	s21 =	sshll.u32 s6, $0x1;
	s6 =	sadd.s32 s22, s4  }
0x9e: {  	[timem:s8], [sflag:s23] =	dma.local [hbm:s6], s21  }
0x9f: {  	_ =	swait.ge [sflag:s23], s21  }
0xa0: {  	s5 =	ssub.s32 $0x0, s21;
	[sflag:s23] =	ssyncset.done $0x0  }
0xa1: {  	[sflag:s23] =	ssyncadd.s32 s5;
	_ =	sdelay $0x1  }
0xa2: {  	s24 =	simm.s32 $0x1B8B  }
0xa3: {  	_ =	swait.ge [sflag:s24], $0x1  }
0xa4: {  	[sflag:s24] =	ssyncset.done $0x0  }
0xa5: {  	s25 =	simm.s32 $0x1B8E;
	[sflag:s24] =	ssyncadd.s32 $0xFFFFFFFF  }
0xa6: {  	s26 =	simm.s32 $execute0_lowered;
	[smem:$0x3FD2] =	sst s25  }
0xa7: {  	s5 =	sshll.u32 s26, $0x1;
	_ =	strace $0x80000046;
	[dreg:$0x1] =	wrdreg $0xFFFFFFFF  }
0xa8: {  	s28 =	simm.s32 $_size_execute0_lowered;
	s4 =	sadd.s32 s4, s5;
	[dreg:$0x0] =	wrdreg $0x0  }
0xa9: {  	s5 =	sshll.u32 s28, $0x1;
	[dreg:$0x2] =	wrdreg s4  }
0xaa: {  	[dreg:$0x3] =	wrdreg s5  }
0xab: {  	[dreg:$0x4] =	wrdreg $0xC0  }
0xac: {  	_ =	task [dreg:s8], $0x5FFFF  }
0xad: {  	[dreg:$0x1] =	wrdreg $0xFFFFFFFF  }
0xae: {  	[dreg:$0x0] =	wrdreg $0x60  }
0xaf: {  	[dreg:$0x2] =	wrdreg s2  }
0xb0: {  	[dreg:$0x3] =	wrdreg s19  }
0xb1: {  	[dreg:$0x4] =	wrdreg $0x9  }
0xb2: {  	_ =	task.clear_ibuf [dreg:s8], $0x5FFFF;
	_ =	strace $0x90000046  }
0xb3: {  	s29 =	simm.s32 $0x9;
	_ =	strace $0x80000048  }
0xb4: {  	_ =	swait.ge [sflag:s29], $0x1  }
0xb5: {  	[sflag:s29] =	ssyncadd.s32 $0xFFFFFFFF  }
0xb6: {  	_ =	strace $0x90000048  }
0xb7: {  	_ =	sfence  }
0xb8: {  	s30 =	sld [smem:$0x0];
	_ =	sdelay $0x2  }
0xb9: {  	s31 =	sshll.u32 s1, $0xD;
	s1 =	sshrl.u32 s1, $0x2  }
0xba: {  	s3 =	sand.u32 $0x4000, s31;
	s1 =	sadd.s32 s1, s30  }
0xbb: {  	s0 =	sor.u32 s3, s0;
	s1 =	sshll.u32 s1, $0x11  }
0xbc: {  	s0 =	sor.u32 s1, s0  }
0xbd: {  	s0 =	sadd.s32 $0x8F2B, s0  }
0xbe: {  	[sflag:s0] =	ssyncadd.remote.s32 $0x1  }
0xbf: {  	_ =	sfence.sel $0xFFFF  }
0xc0: {  	[dreg:$0x0] =	wrdreg $0xFFFFFFFF;
	(pc) =	sbr.abs _section_cstart, $3  }
0xc1: {  	[dreg:$0x1] =	wrdreg $0xFFFFFFFF  }
0xc2: {  	_ =	task.clear_ibuf [dreg:s8], $0x2FFFF;
	_ =	strace $0x9FFFFFFF  }
0xc3: {  	(tm) =	ssettm $0x7FFFFFFF  }
tec
execute0_lowered:
.L_overlay_start_1:
0x0: {  	(tag) =	ssettag $0x1  }
0x1: {  	s8 =	rddreg [dreg:$0x0]  }
0x2: {  	s10 =	rddreg [dreg:$0x1];
	s2 =	srdreg.scid  }
0x3: {  	s0 =	rddreg [dreg:$0x2];
	s1 =	stileid.u32;
	s13 =	simm.s32 $0x400  }
0x4: {  	s14 =	simm.s32 $0x8000;
	s15 =	simm.s32 $0x1;
	s16 =	simm.s32 $0x10000  }
0x5: {  	s17 =	simm.s32 $0x3;
	s18 =	simm.s32 $0x2;
	s19 =	simm.s32 $0x4  }
0x6: {  	s20 =	simm.s32 $0x0;
	s3 =	sand.u32 $0x1, s2;
	s2 =	simm.s32 $0x0  }
0x7: {  	s4 =	sshll.u32 s1, $0xF;
	s5 =	sshll.u32 s3, $0x6;
	s3 =	ssub.s32 $0x2, s3  }
0x8: {  	[smem:$0x7FF] =	sst s2;
	s6 =	sor.u32 s5, s4;
	s31 =	sshrl.u32 s3, $0x1  }
0x9: {  	_ =	strace $0x80000047;
	s7 =	sor.u32 $0x10, s6;
	s11 =	ssub.s32 s3, s31  }
0xa: {  	s3 =	sadd.s32 s8, s6;
	s5 =	sadd.s32 s10, s6;
	s9 =	sor.u32 $0x20, s6  }
0xb: {  	s12 =	sor.u32 $0x30, s6;
	s4 =	sadd.s32 s8, s7;
	s6 =	sadd.s32 s8, s9  }
0xc: {  	v1 =	vlaneseq.u32;
	s7 =	sadd.s32 s10, s7;
	s8 =	sadd.s32 s8, s12;
	s9 =	sadd.s32 s10, s9  }
0xd: {  	v0 =	vimm.s32 $0x1;
	v2 =	vimm.f32 $0.0e+00;
	v1 =	vadd.s32 $0x1, v1;
	s10 =	sadd.s32 s10, s12;
	s11 =	smax.u32 s11, $0x1;
	s12 =	simm.s32 $0x80  }
.LBB2_1:
0xe: {  	[tilespmem:s2], [sflag:$0x1] =	stream.strided.gather [hbm4b:s3+s12], $0x8000, s13, s12, $0x38;
	[tilespmem:$0x18080] =	vst v63  }
0xf: {  	_ = 	snop  }
0x10: {  	[tilespmem:s14], [sflag:$0x2] =	stream.strided.gather [hbm4b:s4+s12], $0x8000, s13, s12, $0x38;
	[tilespmem:$0x18080] =	vst v63  }
0x11: {  	_ =	swait.ge [sflag:s15], $0x8000  }
0x12: {  	[sflag:s15] =	ssyncset.done $0x0  }
0x13: {  	s21 =	simm.s32 $0x40;
	[sflag:s15] =	ssyncadd.s32 $0xFFFF8000  }
0x14: {  	v12 =	vld [tilespmem:s21+$0xFFFFFFC0]  }
0x15: {  	v11 =	vld [tilespmem:s21+$0xFFFFFFD0]  }
0x16: {  	v3 =	vld [tilespmem:s21+$0xFFFFFFE0]  }
0x17: {  	v14 =	vld [tilespmem:s21+$0xFFFFFFF0]  }
0x18: {  	v5 =	vimm.f32 $-3.000000010e+38;
	v4 =	vld [tilespmem:s21+$0x0]  }
0x19: {  	v7 =	vadd.f32 $-1.000000000e+00, v5;
	v15 =	vld [tilespmem:s21+$0x10];
	v5 =	vmax.f32 v5, v12  }
0x1a: {  	v6 =	vld [tilespmem:s21+$0x20];
	v9 =	vmax.f32 v5, v11  }
0x1b: {  	v8 =	vadd.f32 $-1.000000000e+00, v5;
	v5 =	vmax.f32 v9, v3  }
0x1c: {  	vm4 =	vgt.f32 v12, v7;
	v7 =	vmax.f32 v5, v14  }
0x1d: {  	(xrf0) =	vadd.scan.msk.s32 vm4, v0;
	vm7 =	vgt.f32 v11, v8;
	v8 =	vadd.f32 $-1.000000000e+00, v5;
	v10 =	vmax.f32 v7, v4  }
0x1e: {  	(xrf0) =	vadd.scan.msk.s32 vm7, v0;
	v16 =	vadd.f32 $-1.000000000e+00, v10;
	v10 =	vmax.f32 v10, v15  }
0x1f: {  	v5 =	vld [tilespmem:s21+$0x30];
	v7 =	vadd.f32 $-1.000000000e+00, v7;
	vm6 =	vgt.f32 v14, v8;
	v17 =	vmax.f32 v10, v6  }
0x20: {  	v8 =	vadd.f32 $-1.000000000e+00, v10;
	vm5 =	vgt.f32 v15, v16;
	v16 =	vadd.f32 $-1.000000000e+00, v17  }
0x21: {  	v9 =	vadd.f32 $-1.000000000e+00, v9;
	(xrf0) =	vadd.scan.msk.s32 vm6, v0  }
0x22: {  	v13 =	vimm.s32 $0xFFFFFFFF;
	v10 =	vmpcnt.ones.xlane vm4;
	vm3 =	vgt.f32 v6, v8;
	(xrf0) =	vadd.scan.msk.s32 vm5, v0  }
0x23: {  	s21 =	simm.s32 $0xC0;
	vm1 =	vgt.f32 v3, v9;
	vm2 =	vgt.f32 v4, v7;
	v8 =	vmpcnt.ones.xlane vm7;
	v7, _, _ =	vpop (xrf0);
	(xrf0) =	vadd.scan.msk.s32 vm3, v0  }
0x24: {  	v9 =	vadd.s32 v13, v10;
	vm0 =	vgt.f32 v5, v16;
	v20 =	vadd.s32 v13, v7;
	v7 =	vld [tilespmem:s21+$0xFFFFFFC0];
	v16, _, _ =	vpop (xrf0);
	(xrf0) =	vadd.scan.msk.s32 vm1, v0  }
0x25: {  	v10 =	vmpcnt.ones.xlane vm1;
	v16 =	vadd.s32 v9, v16;
	(xrf0) =	vadd.scan.msk.s32 vm0, v0  }
0x26: {  	v17 =	vmax.f32 v17, v5;
	v19 =	vadd.s32 v9, v8;
	v8 =	vmpcnt.ones.xlane vm6;
	(xrf0) =	vadd.scan.msk.s32 vm2, v0  }
0x27: {  	v13 =	vmpcnt.ones.xlane vm5;
	v10 =	vadd.s32 v19, v10;
	v9 =	vmpcnt.ones.xlane vm2;
	v18, _, _ =	vpop (xrf0)  }
0x28: {  	v24 =	vmpcnt.ones.xlane vm0;
	v21 =	vadd.s32 v10, v8;
	v8 =	vld [tilespmem:s21+$0xFFFFFFD0];
	v22 =	vadd.s32 v10, v18;
	v23, _, _ =	vpop (xrf0)  }
0x29: {  	v18 =	vmpcnt.ones.xlane vm3;
	v10 =	vld [tilespmem:s21+$0xFFFFFFE0];
	v9 =	vadd.s32 v21, v9;
	[tilespmem:v20+s16+$0x0] =	vst.idx.msk vm4, v12;
	v63 =	vmax.f32 v17, v7;
	v25, _, _ =	vpop (xrf0)  }
0x2a: {  	v20 =	vadd.f32 $-1.000000000e+00, v17;
	v23 =	vadd.s32 v9, v23;
	v13 =	vadd.s32 v9, v13;
	v9 =	vld [tilespmem:s21+$0xFFFFFFF0];
	[tilespmem:v16+s16+$0x0] =	vst.idx.msk vm7, v11;
	v11, _, _ =	vpop (xrf0)  }
0x2b: {  	v26 =	vadd.s32 v13, v18;
	v18 =	vadd.s32 v13, v25;
	v13 =	vld [tilespmem:s21+$0x0];
	v16 =	vadd.s32 v19, v11;
	v19, _, _ =	vpop (xrf0)  }
0x2c: {  	v12 =	vld [tilespmem:s21+$0x10];
	vm4 =	vgt.f32 v7, v20;
	v11 =	vadd.s32 v26, v24;
	v17 =	vadd.s32 v26, v19;
	v19, _, _ =	vpop (xrf0)  }
0x2d: {  	[tilespmem:v22+s16+$0x0] =	vst.idx.msk vm6, v14;
	v22 =	vadd.f32 $-1.000000000e+00, v63;
	v24 =	vmax.f32 v63, v8;
	v14 =	vld [tilespmem:s21+$0x20];
	v19 =	vadd.s32 v21, v19  }
0x2e: {  	(xrf0) =	vadd.scan.msk.s32 vm4, v0;
	v20 =	vadd.f32 $-1.000000000e+00, v24;
	v21 =	vmax.f32 v24, v10  }
0x2f: {  	s22 =	simm.s32 $0x8;
	[tilespmem:v23+s16+$0x0] =	vst.idx.msk vm5, v15;
	vm5 =	vgt.f32 v8, v22;
	v15 =	vld [tilespmem:s21+$0x30];
	v22 =	vadd.f32 $-1.000000000e+00, v21;
	v21 =	vmax.f32 v21, v9  }
.LBB2_2:
0x30: {  	s22 =	sadd.s32 $0x8, s22;
	v23 =	vmpcnt.ones.xlane vm4;
	v24 =	vmax.f32 v21, v13;
	(xrf0) =	vadd.scan.msk.s32 vm5, v0;
	[tilespmem:v18+s16+$0x0] =	vst.idx.msk vm3, v6  }
0x31: {  	p0 =	slt.u32 s22, $0x7F8;
	vm7 =	vgt.f32 v9, v22;
	v6 =	vadd.f32 $-1.000000000e+00, v24;
	v18 =	vmax.f32 v24, v12;
	[tilespmem:v16+s16+$0x0] =	vst.idx.msk vm1, v3  }
0x32: {  	v3 =	vmovc v10;
	v16 =	vadd.f32 $-1.000000000e+00, v18;
	v18 =	vmax.f32 v18, v14;
	(xrf0) =	vadd.scan.msk.s32 vm7, v0;
	[tilespmem:v19+s16+$0x0] =	vst.idx.msk vm2, v4  }
0x33: {  	v10 =	vadd.f32 $-1.000000000e+00, v21;
	v4 =	vmovc v13;
	vm6 =	vgt.f32 v12, v6;
	v19 =	vadd.f32 $-1.000000000e+00, v18;
	[tilespmem:v17+s16+$0x0] =	vst.idx.msk vm0, v5  }
0x34: {  	vm1 =	vgt.f32 v3, v20;
	vm3 =	vgt.f32 v14, v16;
	v17 =	vmax.f32 v18, v15;
	(xrf0) =	vadd.scan.msk.s32 vm6, v0  }
0x35: {  	v5 =	vmpcnt.ones.xlane vm5;
	vm2 =	vgt.f32 v4, v10;
	vm0 =	vgt.f32 v15, v19;
	v6, _, _ =	vpop (xrf0);
	(xrf0) =	vadd.scan.msk.s32 vm3, v0  }
0x36: {  	v10 =	vadd.s32 v11, v23;
	v13 =	vmpcnt.ones.xlane vm1;
	v16 =	vmpcnt.ones.xlane vm2;
	v18, _, _ =	vpop (xrf0);
	(xrf0) =	vadd.scan.msk.s32 vm1, v0  }
0x37: {  	v21 =	vmovc v12;
	v24 =	vmpcnt.ones.xlane vm7;
	v19 =	vadd.s32 v10, v5;
	v18 =	vadd.s32 v10, v18;
	(xrf0) =	vadd.scan.msk.s32 vm0, v0  }
0x38: {  	s21 =	sadd.s32 $0x80, s21;
	v11 =	vadd.s32 v11, v6;
	v6 =	vmov v14;
	v10 =	vadd.s32 v19, v13;
	v12, _, _ =	vpop (xrf0);
	(xrf0) =	vadd.scan.msk.s32 vm2, v0  }
0x39: {  	v27 =	vmpcnt.ones.xlane vm6;
	v5 =	vmovc v15;
	v22 =	vadd.s32 v10, v24;
	v20 =	vld [tilespmem:s21+$0xFFFFFFC0];
	v14 =	vadd.s32 v10, v12  }
0x3a: {  	v25 =	vadd.s32 v22, v16;
	v16 =	vmpcnt.ones.xlane vm3;
	v15 =	vld [tilespmem:s21+$0xFFFFFFD0];
	v23, _, _ =	vpop (xrf0)  }
0x3b: {  	v24 =	vmpcnt.ones.xlane vm0;
	v26 =	vadd.s32 v25, v27;
	v10 =	vld [tilespmem:s21+$0xFFFFFFE0];
	v23 =	vadd.s32 v25, v23;
	v13, _, _ =	vpop (xrf0)  }
0x3c: {  	v25 =	vld [tilespmem:s21+$0xFFFFFFF0];
	[tilespmem:v18+s16+$0x0] =	vst.idx.msk vm5, v8;
	v18 =	vadd.s32 v26, v13;
	v8 =	vadd.s32 v26, v16;
	v12, _, _ =	vpop (xrf0)  }
.Ltmp0:
0x3d: {  	v13 =	vld [tilespmem:s21+$0x0];
	[tilespmem:v11+s16+$0x0] =	vst.idx.msk vm4, v7;
	v16 =	vadd.s32 v19, v12;
	v11 =	vadd.s32 v8, v24;
	v7, _, _ =	vpop (xrf0);
	(pc) =	sbr.rel @p0 .LBB2_2-.Ltmp0, $4  }
0x3e: {  	v24 =	vadd.f32 $-1.000000000e+00, v17;
	v19 =	vmax.f32 v17, v20;
	v12 =	vld [tilespmem:s21+$0x10];
	[tilespmem:v14+s16+$0x0] =	vst.idx.msk vm7, v9;
	v17 =	vadd.s32 v8, v7;
	v7, _, _ =	vpop (xrf0)  }
0x3f: {  	v27 =	vadd.f32 $-1.000000000e+00, v19;
	v26 =	vmax.f32 v19, v15;
	v14 =	vld [tilespmem:s21+$0x20];
	v19 =	vadd.s32 v22, v7;
	v7 =	vmovc v20;
	v8 =	vmovc v15  }
0x40: {  	vm4 =	vgt.f32 v7, v24;
	v20 =	vadd.f32 $-1.000000000e+00, v26;
	v15 =	vmax.f32 v26, v10;
	[tilespmem:v23+s16+$0x0] =	vst.idx.msk vm6, v21  }
0x41: {  	vm5 =	vgt.f32 v8, v27;
	v22 =	vadd.f32 $-1.000000000e+00, v15;
	v21 =	vmax.f32 v15, v25;
	v15 =	vld [tilespmem:s21+$0x30];
	(xrf0) =	vadd.scan.msk.s32 vm4, v0;
	v9 =	vmovc v25  }
0x42: {  	v23 =	vmax.f32 v21, v13  }
0x43: {  	v24 =	vmpcnt.ones.xlane vm4;
	v52 =	vadd.f32 $-1.000000000e+00, v21;
	vm6 =	vgt.f32 v10, v20  }
0x44: {  	v53 =	vmpcnt.ones.xlane vm5;
	vm7 =	vgt.f32 v9, v22;
	v51 =	vmax.f32 v23, v12  }
0x45: {  	v23 =	vadd.f32 $-1.000000000e+00, v23;
	v55 =	vmpcnt.ones.xlane vm6;
	v25 =	vadd.f32 $-1.000000000e+00, v51  }
0x46: {  	v22 =	vmax.f32 v51, v14;
	v54 =	vadd.s32 v11, v24;
	vm8 =	vgt.f32 v13, v52  }
0x47: {  	(xrf0) =	vadd.scan.msk.s32 vm5, v0;
	v56 =	vmpcnt.ones.xlane vm7;
	vm9 =	vgt.f32 v12, v23;
	v20 =	vadd.s32 v54, v53  }
0x48: {  	(xrf0) =	vadd.scan.msk.s32 vm7, v0;
	v26 =	vadd.f32 $-1.000000000e+00, v22;
	v27 =	vmpcnt.ones.xlane vm8;
	v24 =	vadd.s32 v20, v55  }
0x49: {  	vm11 =	vgt.f32 v14, v25;
	(xrf0) =	vadd.scan.msk.s32 vm9, v0;
	v57 =	vmpcnt.ones.xlane vm9;
	v21 =	vadd.s32 v24, v56  }
0x4a: {  	vm10 =	vgt.f32 v15, v26;
	(xrf0) =	vadd.scan.msk.s32 vm11, v0;
	v59 =	vmpcnt.ones.xlane vm11;
	v58 =	vadd.s32 v21, v27  }
0x4b: {  	(xrf0) =	vadd.scan.msk.s32 vm6, v0;
	v28 =	vmpcnt.ones.xlane vm10;
	v25 =	vadd.s32 v58, v57  }
0x4c: {  	v29, _, _ =	vpop (xrf0);
	(xrf0) =	vadd.scan.msk.s32 vm10, v0;
	v27 =	vadd.s32 v25, v59  }
0x4d: {  	v22 =	vmax.f32 v22, v15;
	v30, _, _ =	vpop (xrf0);
	(xrf0) =	vadd.scan.msk.s32 vm8, v0;
	v28 =	vadd.s32 v27, v28  }
0x4e: {  	v31, _, _ =	vpop (xrf0);
	(xrf0) =	vmax.scan.msk.f32 $0xffff, v22;
	v60 =	vxor.u32 $0x80000000, v28  }
0x4f: {  	v32, _, _ =	vpop (xrf0);
	(xrf0) =	vmax.scan.msk.u32 $0xffff, v60  }
0x50: {  	v61, _, _ =	vpop (xrf0)  }
0x51: {  	v33, _, _ =	vpop (xrf0)  }
0x52: {  	v34, _, _ =	vpop (xrf0)  }
0x53: {  	v35, _, _ =	vpop (xrf0)  }
0x54: {  	v36, _, _ =	vpop (xrf0)  }
0x55: {  	v37, _, _ =	vpop (xrf0)  }
0x56: {  	(v2sf) =	vpush v37, $0xF;
	_ =	sdelay $0x9  }
0x57: {  	[tilespmem:v18+s16+$0x0] =	vst.idx.msk vm3, v6;
	v6 =	vadd.s32 v11, v29  }
0x58: {  	[tilespmem:v16+s16+$0x0] =	vst.idx.msk vm1, v3;
	v3 =	vadd.s32 v24, v31  }
0x59: {  	v23 =	vadd.s32 v54, v30  }
0x5a: {  	[tilespmem:v19+s16+$0x0] =	vst.idx.msk vm2, v4;
	v4 =	vadd.s32 v58, v32  }
0x5b: {  	[tilespmem:v17+s16+$0x0] =	vst.idx.msk vm0, v5;
	v5 =	vadd.s32 v25, v61  }
0x5c: {  	[tilespmem:v6+s16+$0x0] =	vst.idx.msk vm4, v7;
	v62 =	vadd.s32 v20, v33;
	s21 =	spop (v2sf)  }
0x5d: {  	[tilespmem:v3+s16+$0x0] =	vst.idx.msk vm7, v9;
	v3 =	vadd.s32 v27, v34;
	s21 =	sadd.s32 $0x80000010, s21  }
0x5e: {  	[tilespmem:v23+s16+$0x0] =	vst.idx.msk vm5, v8;
	v6 =	vadd.s32 v21, v35;
	v7 =	vadd.f32 $-1.000000000e+00, v36;
	s21 =	sshrl.u32 s21, $0x4  }
0x5f: {  	v63 =	vadd.s32 v1, v28;
	[tilespmem:v4+s16+$0x0] =	vst.idx.msk vm9, v12;
	p0 =	seq.s32 s21, $0x0  }
.Ltmp1:
0x60: {  	[tilespmem:v5+s16+$0x0] =	vst.idx.msk vm11, v14;
	v4 =	vbroadcast v7, $0xF;
	(pc) =	sbr.rel @p0 .LBB2_4-.Ltmp1, $4  }
0x61: {  	[tilespmem:v62+s16+$0x0] =	vst.idx.msk vm6, v10  }
0x62: {  	[tilespmem:v3+s16+$0x0] =	vst.idx.msk vm10, v15;
	v5 =	vadd.f32 $-1.000000000e+00, v4  }
0x63: {  	s22 =	simm.s32 $0x10000;
	[tilespmem:v6+s16+$0x0] =	vst.idx.msk vm8, v13  }
0x64: {  	v3 =	vimm.f32 $0.0e+00;
	[tilespmem:v63+s22+$0x0] =	vst.idx.msk $0xffff, v5  }
0x65: {  	v6 =	vld [tilespmem:s22+$0x0];
	p1 =	sne.s32 s21, $0x1  }
.Ltmp2:
0x66: {  	_ = 	snop;
	(pc) =	sbr.rel @!p1 .LBB2_7-.Ltmp2, $2  }
0x67: {  	_ =	sdelay $0x2  }
0x68: {  	s22 =	sadd.s32 $0xFFFFFFFF, s21;
	s23 =	simm.s32 $0x10010;
	v5 =	vimm.f32 $0.0e+00;
	v7 =	vmul.f32 $0.0e+00, v6  }
.LBB2_6:
0x69: {  	v8 =	vld [tilespmem:s23+$0x0];
	p1 =	sne.s32 s22, $0x1;
	s22 =	sadd.s32 $0xFFFFFFFF, s22  }
.Ltmp3:
0x6a: {  	v7 =	vadd.f32 $1.000000000e+00, v7;
	(pc) =	sbr.rel @p1 .LBB2_6-.Ltmp3, $4  }
0x6b: {  	vm0 =	vgt.f32 v6, v4  }
0x6c: {  	v9 =	vnsel vm0, $0x0, v6;
	v7 =	vnsel vm0, $0x0, v7  }
0x6d: {  	v3 =	vadd.f32 v9, v3;
	v5 =	vadd.f32 v7, v5  }
0x6e: {  	s23 =	sadd.s32 $0x10, s23;
	v7 =	vmul.f32 $0.0e+00, v8;
	v6 =	vmov v8  }
.LBB2_7:
.Ltmp4:
0x6f: {  	_ = 	snop;
	(pc) =	sbr.rel .LBB2_8-.Ltmp4, $4  }
0x70: {  	v7 =	vadd.f32 $1.000000000e+00, v7  }
0x71: {  	vm0 =	vgt.f32 v6, v4  }
0x72: {  	v6 =	vnsel vm0, $0x0, v6;
	v7 =	vnsel vm0, $0x0, v7  }
0x73: {  	v3 =	vadd.f32 v6, v3;
	v5 =	vadd.f32 v7, v5  }
.LBB2_4:
0x74: {  	v5 =	vimm.f32 $0.0e+00  }
.LBB2_8:
0x75: {  	_ = 	snop  }
0x76: {  	(xrf2) =	vadd.scan.msk.f32 $0xffff, v3  }
0x77: {  	(xrf2) =	vadd.scan.msk.f32 $0xffff, v5;
	_ =	sdelay $0x8  }
0x78: {  	v3, _, _ =	vpop (xrf2)  }
0x79: {  	v5, _, _ =	vpop (xrf2)  }
0x7a: {  	v5 =	vmax.f32 v5, $1.000000000e+00  }
0x7b: {  	v5 =	vbroadcast v5, $0xF;
	_ =	sdelay $0x1  }
0x7c: {  	(erf) = vrcp.f32 v5;
	_ =	sdelay $0x5  }
0x7d: {  	v3 =	vadd.f32 $-1.000000000e+00, v3;
	_ =	sdelay $0x1  }
0x7e: {  	v3 =	vbroadcast v3, $0xF  }
0x7f: {  	v5 =	vpop (erf)  }
0x80: {  	v3 =	vmul.f32 v5, v3;
	_ =	sdelay $0x1  }
0x81: {  	vm0 =	vlt.f32 v3, v4;
	vm1 =	vgt.f32 v3, v4  }
0x82: {  	vm0 =	vmor vm1, vm0  }
0x83: {  	v4 =	vsel vm0, $0x3F800000, v2  }
0x84: {  	(xrf0) =	vmax.scan.msk.f32 $0xffff, v4;
	_ =	sdelay $0x5  }
0x85: {  	v4, _, _ =	vpop (xrf0)  }
0x86: {  	(v2sf) =	vpush v4, $0xF;
	_ =	sdelay $0xe  }
0x87: {  	s22 =	spop (v2sf)  }
0x88: {  	p1 =	sgt.f32 s22, $0.0e+00  }
.Ltmp5:
0x89: {  	_ = 	snop;
	(pc) =	sbr.rel @p1 .LBB2_15-.Ltmp5, $4  }
.Ltmp6:
0x8a: {  	_ = 	snop;
	(pc) =	sbr.rel @!p1 .LBB2_9-.Ltmp6, $4  }
0x8b: {  	_ = 	snop  }
0x8c: {  	_ = 	snop  }
0x8d: {  	s22 =	simm.s32 $0x0  }
0x8e: {  	_ = 	snop  }
.LBB2_16:
0x8f: {  	v5 =	vimm.f32 $0.0e+00  }
.LBB2_20:
0x90: {  	(xrf2) =	vadd.scan.msk.f32 $0xffff, v4  }
0x91: {  	(xrf2) =	vadd.scan.msk.f32 $0xffff, v5;
	_ =	sdelay $0x8  }
0x92: {  	v4, _, _ =	vpop (xrf2)  }
0x93: {  	v5, _, _ =	vpop (xrf2)  }
0x94: {  	v5 =	vmax.f32 v5, $1.000000000e+00  }
0x95: {  	v5 =	vbroadcast v5, $0xF;
	_ =	sdelay $0x1  }
0x96: {  	(erf) = vrcp.f32 v5;
	_ =	sdelay $0x5  }
0x97: {  	v4 =	vadd.f32 $-1.000000000e+00, v4;
	_ =	sdelay $0x1  }
0x98: {  	v4 =	vbroadcast v4, $0xF  }
0x99: {  	v5 =	vpop (erf)  }
0x9a: {  	v4 =	vmul.f32 v5, v4;
	_ =	sdelay $0x1  }
0x9b: {  	vm0 =	vlt.f32 v4, v3;
	vm1 =	vgt.f32 v4, v3  }
0x9c: {  	vm0 =	vmor vm1, vm0  }
0x9d: {  	v3 =	vsel vm0, $0x3F800000, v2  }
0x9e: {  	(xrf0) =	vmax.scan.msk.f32 $0xffff, v3;
	_ =	sdelay $0x5  }
0x9f: {  	v3, _, _ =	vpop (xrf0)  }
0xa0: {  	(v2sf) =	vpush v3, $0xF;
	_ =	sdelay $0xe  }
0xa1: {  	p1 =	sgt.u32 s22, $0x1E;
	s23 =	spop (v2sf)  }
0xa2: {  	p2 =	sgt.f32 @!p1 s23, $0.0e+00;
	_ =	sdelay $0x1  }
0xa3: {  	p2 =	por p1, !p2  }
.Ltmp7:
0xa4: {  	_ = 	snop;
	(pc) =	sbr.rel @p2 .LBB2_21-.Ltmp7, $2  }
0xa5: {  	_ =	sdelay $0x2  }
0xa6: {  	s22 =	sadd.s32 $0x1, s22;
	v3 =	vmov v4  }
.LBB2_15:
.Ltmp8:
0xa7: {  	(pc) =	sbr.rel @p0 .LBB2_16-.Ltmp8, $2  }
0xa8: {  	_ =	sdelay $0x2  }
0xa9: {  	s23 =	simm.s32 $0x10000;
	v4 =	vimm.f32 $0.0e+00  }
0xaa: {  	v6 =	vld [tilespmem:s23+$0x0];
	p1 =	sne.s32 s21, $0x1  }
.Ltmp9:
0xab: {  	_ = 	snop;
	(pc) =	sbr.rel @!p1 .LBB2_19-.Ltmp9, $2  }
0xac: {  	_ =	sdelay $0x2  }
0xad: {  	s23 =	sadd.s32 $0xFFFFFFFF, s21;
	s24 =	simm.s32 $0x10010;
	v5 =	vimm.f32 $0.0e+00;
	v7 =	vmul.f32 $0.0e+00, v6  }
.LBB2_18:
0xae: {  	v8 =	vld [tilespmem:s24+$0x0];
	p1 =	sne.s32 s23, $0x1;
	s23 =	sadd.s32 $0xFFFFFFFF, s23  }
.Ltmp10:
0xaf: {  	v7 =	vadd.f32 $1.000000000e+00, v7;
	(pc) =	sbr.rel @p1 .LBB2_18-.Ltmp10, $4  }
0xb0: {  	vm0 =	vgt.f32 v6, v3  }
0xb1: {  	v9 =	vnsel vm0, $0x0, v6;
	v7 =	vnsel vm0, $0x0, v7  }
0xb2: {  	v4 =	vadd.f32 v9, v4;
	v5 =	vadd.f32 v7, v5  }
0xb3: {  	s24 =	sadd.s32 $0x10, s24;
	v7 =	vmul.f32 $0.0e+00, v8;
	v6 =	vmov v8  }
.LBB2_19:
.Ltmp11:
0xb4: {  	_ = 	snop;
	(pc) =	sbr.rel .LBB2_20-.Ltmp11, $4  }
0xb5: {  	vm0 =	vgt.f32 v6, v3;
	v7 =	vadd.f32 $1.000000000e+00, v7  }
0xb6: {  	v6 =	vnsel vm0, $0x0, v6  }
0xb7: {  	v4 =	vadd.f32 v6, v4;
	v7 =	vnsel vm0, $0x0, v7  }
0xb8: {  	v5 =	vadd.f32 v7, v5  }
.LBB2_21:
0xb9: {  	v3 =	vpsel p1, v4, v4  }
.LBB2_9:
0xba: {  	s21 =	simm.s32 $0x40  }
0xbb: {  	v5 =	vld [tilespmem:s21+$0x30]  }
0xbc: {  	v7 =	vld [tilespmem:s21+$0xFFFFFFD0]  }
0xbd: {  	v9 =	vld [tilespmem:s21+$0xFFFFFFE0]  }
0xbe: {  	v8 =	vld [tilespmem:s21+$0xFFFFFFF0]  }
0xbf: {  	v6 =	vld [tilespmem:s21+$0x0]  }
0xc0: {  	v4 =	vld [tilespmem:s21+$0x10];
	v11 =	vsub.f32 v5, v3  }
0xc1: {  	v5 =	vld [tilespmem:s21+$0x20];
	v10 =	vsub.f32 v7, v3  }
0xc2: {  	s22 =	simm.s32 $0x0;
	s23 =	simm.s32 $0xC0;
	v7 =	vld [tilespmem:s21+$0xFFFFFFC0];
	v9 =	vsub.f32 v9, v3;
	v11 =	vmax.f32 v11, $0.0e+00  }
.LBB2_10:
0xc3: {  	v12 =	vld [tilespmem:s23+$0x30];
	s22 =	sadd.s32 $0x8, s22;
	v10 =	vmax.f32 v10, $0.0e+00;
	v8 =	vsub.f32 v8, v3;
	[tilespmem:s21+$0x30] =	vst v11  }
0xc4: {  	v11 =	vld [tilespmem:s23+$0xFFFFFFD0];
	p0 =	slt.u32 s22, $0x7F8;
	[tilespmem:s21+$0xFFFFFFD0] =	vst v10;
	v9 =	vmax.f32 v9, $0.0e+00;
	v6 =	vsub.f32 v6, v3  }
0xc5: {  	v13 =	vld [tilespmem:s23+$0xFFFFFFE0];
	[tilespmem:s21+$0xFFFFFFE0] =	vst v9;
	v9 =	vmax.f32 v8, $0.0e+00;
	v4 =	vsub.f32 v4, v3  }
.Ltmp12:
0xc6: {  	v8 =	vld [tilespmem:s23+$0xFFFFFFF0];
	[tilespmem:s21+$0xFFFFFFF0] =	vst v9;
	v9 =	vmax.f32 v6, $0.0e+00;
	v5 =	vsub.f32 v5, v3;
	(pc) =	sbr.rel @p0 .LBB2_10-.Ltmp12, $4  }
0xc7: {  	v6 =	vld [tilespmem:s23+$0x0];
	v7 =	vsub.f32 v7, v3;
	[tilespmem:s21+$0x0] =	vst v9;
	v9 =	vmax.f32 v4, $0.0e+00  }
0xc8: {  	v4 =	vld [tilespmem:s23+$0x10];
	v12 =	vsub.f32 v12, v3;
	[tilespmem:s21+$0x10] =	vst v9;
	v9 =	vmax.f32 v5, $0.0e+00  }
0xc9: {  	v10 =	vsub.f32 v11, v3;
	v5 =	vld [tilespmem:s23+$0x20];
	v14 =	vmax.f32 v7, $0.0e+00;
	[tilespmem:s21+$0x20] =	vst v9  }
0xca: {  	v7 =	vld [tilespmem:s23+$0xFFFFFFC0];
	v9 =	vsub.f32 v13, v3;
	v11 =	vmax.f32 v12, $0.0e+00;
	[tilespmem:s21+$0xFFFFFFC0] =	vst v14;
	s21 =	smov.u32 s23;
	s23 =	sadd.s32 $0x80, s23  }
0xcb: {  	v10 =	vmax.f32 v10, $0.0e+00;
	v8 =	vsub.f32 v8, v3;
	[tilespmem:s21+$0x30] =	vst v11  }
0xcc: {  	[tilespmem:s21+$0xFFFFFFD0] =	vst v10;
	v9 =	vmax.f32 v9, $0.0e+00;
	v6 =	vsub.f32 v6, v3  }
0xcd: {  	[tilespmem:s21+$0xFFFFFFE0] =	vst v9;
	v8 =	vmax.f32 v8, $0.0e+00;
	v4 =	vsub.f32 v4, v3  }
0xce: {  	[tilespmem:s21+$0xFFFFFFF0] =	vst v8;
	v6 =	vmax.f32 v6, $0.0e+00;
	v5 =	vsub.f32 v5, v3  }
0xcf: {  	v3 =	vsub.f32 v7, v3;
	[tilespmem:s21+$0x0] =	vst v6;
	v4 =	vmax.f32 v4, $0.0e+00  }
0xd0: {  	[tilespmem:s21+$0x10] =	vst v4;
	v4 =	vmax.f32 v5, $0.0e+00  }
0xd1: {  	v3 =	vmax.f32 v3, $0.0e+00;
	[tilespmem:s21+$0x20] =	vst v4  }
0xd2: {  	[tilespmem:s21+$0xFFFFFFC0] =	vst v3  }
0xd3: {  	[hbm4b:s5+s12] =	stream.strided.scatter [tilespmem:s2], [sflag:$0x3], $0x8000, s13, s12, $0x38;
	[tilespmem:$0x18080] =	vst v63  }
0xd4: {  	_ =	swait.ge [sflag:s17], $0x8000  }
0xd5: {  	[sflag:s17] =	ssyncset.done $0x0  }
0xd6: {  	[sflag:s17] =	ssyncadd.s32 $0xFFFF8000  }
0xd7: {  	[tilespmem:s2], [sflag:$0x1] =	stream.strided.gather [hbm4b:s6+s12], $0x8000, s13, s12, $0x38;
	[tilespmem:$0x18080] =	vst v63  }
0xd8: {  	_ =	swait.ge [sflag:s18], $0x8000  }
0xd9: {  	[sflag:s18] =	ssyncset.done $0x0  }
0xda: {  	s31 =	simm.s32 $0x8040;
	[sflag:s18] =	ssyncadd.s32 $0xFFFF8000  }
0xdb: {  	v12 =	vld [tilespmem:s31+$0xFFFFFFC0]  }
0xdc: {  	v11 =	vld [tilespmem:s31+$0xFFFFFFD0]  }
0xdd: {  	v3 =	vld [tilespmem:s31+$0xFFFFFFE0]  }
0xde: {  	v14 =	vld [tilespmem:s31+$0xFFFFFFF0]  }
0xdf: {  	v5 =	vimm.f32 $-3.000000010e+38;
	v4 =	vld [tilespmem:s31+$0x0]  }
0xe0: {  	v7 =	vadd.f32 $-1.000000000e+00, v5;
	v15 =	vld [tilespmem:s31+$0x10];
	v5 =	vmax.f32 v5, v12  }
0xe1: {  	v6 =	vld [tilespmem:s31+$0x20];
	v9 =	vmax.f32 v5, v11  }
0xe2: {  	v8 =	vadd.f32 $-1.000000000e+00, v5;
	v5 =	vmax.f32 v9, v3  }
0xe3: {  	vm4 =	vgt.f32 v12, v7;
	v7 =	vmax.f32 v5, v14  }
0xe4: {  	(xrf0) =	vadd.scan.msk.s32 vm4, v0;
	vm7 =	vgt.f32 v11, v8;
	v8 =	vadd.f32 $-1.000000000e+00, v5;
	v10 =	vmax.f32 v7, v4  }
0xe5: {  	(xrf0) =	vadd.scan.msk.s32 vm7, v0;
	v16 =	vadd.f32 $-1.000000000e+00, v10;
	v10 =	vmax.f32 v10, v15  }
0xe6: {  	v5 =	vld [tilespmem:s31+$0x30];
	v7 =	vadd.f32 $-1.000000000e+00, v7;
	vm6 =	vgt.f32 v14, v8;
	v17 =	vmax.f32 v10, v6  }
0xe7: {  	v8 =	vadd.f32 $-1.000000000e+00, v10;
	vm5 =	vgt.f32 v15, v16;
	v16 =	vadd.f32 $-1.000000000e+00, v17  }
0xe8: {  	v9 =	vadd.f32 $-1.000000000e+00, v9;
	(xrf0) =	vadd.scan.msk.s32 vm6, v0  }
0xe9: {  	v13 =	vimm.s32 $0xFFFFFFFF;
	v10 =	vmpcnt.ones.xlane vm4;
	vm3 =	vgt.f32 v6, v8;
	(xrf0) =	vadd.scan.msk.s32 vm5, v0  }
0xea: {  	s21 =	simm.s32 $0x80C0;
	vm1 =	vgt.f32 v3, v9;
	vm2 =	vgt.f32 v4, v7;
	v8 =	vmpcnt.ones.xlane vm7;
	v7, _, _ =	vpop (xrf0);
	(xrf0) =	vadd.scan.msk.s32 vm3, v0  }
0xeb: {  	v9 =	vadd.s32 v13, v10;
	vm0 =	vgt.f32 v5, v16;
	v20 =	vadd.s32 v13, v7;
	v7 =	vld [tilespmem:s21+$0xFFFFFFC0];
	v16, _, _ =	vpop (xrf0);
	(xrf0) =	vadd.scan.msk.s32 vm1, v0  }
0xec: {  	v10 =	vmpcnt.ones.xlane vm1;
	v16 =	vadd.s32 v9, v16;
	(xrf0) =	vadd.scan.msk.s32 vm0, v0  }
0xed: {  	v17 =	vmax.f32 v17, v5;
	v19 =	vadd.s32 v9, v8;
	v8 =	vmpcnt.ones.xlane vm6;
	(xrf0) =	vadd.scan.msk.s32 vm2, v0  }
0xee: {  	v13 =	vmpcnt.ones.xlane vm5;
	v10 =	vadd.s32 v19, v10;
	v9 =	vmpcnt.ones.xlane vm2;
	v18, _, _ =	vpop (xrf0)  }
0xef: {  	v24 =	vmpcnt.ones.xlane vm0;
	v21 =	vadd.s32 v10, v8;
	v8 =	vld [tilespmem:s21+$0xFFFFFFD0];
	v22 =	vadd.s32 v10, v18;
	v23, _, _ =	vpop (xrf0)  }
0xf0: {  	v18 =	vmpcnt.ones.xlane vm3;
	v10 =	vld [tilespmem:s21+$0xFFFFFFE0];
	v9 =	vadd.s32 v21, v9;
	[tilespmem:v20+s16+$0x0] =	vst.idx.msk vm4, v12;
	v63 =	vmax.f32 v17, v7;
	v25, _, _ =	vpop (xrf0)  }
0xf1: {  	v20 =	vadd.f32 $-1.000000000e+00, v17;
	v23 =	vadd.s32 v9, v23;
	v13 =	vadd.s32 v9, v13;
	v9 =	vld [tilespmem:s21+$0xFFFFFFF0];
	[tilespmem:v16+s16+$0x0] =	vst.idx.msk vm7, v11;
	v11, _, _ =	vpop (xrf0)  }
0xf2: {  	v26 =	vadd.s32 v13, v18;
	v18 =	vadd.s32 v13, v25;
	v13 =	vld [tilespmem:s21+$0x0];
	v16 =	vadd.s32 v19, v11;
	v19, _, _ =	vpop (xrf0)  }
0xf3: {  	v12 =	vld [tilespmem:s21+$0x10];
	vm4 =	vgt.f32 v7, v20;
	v11 =	vadd.s32 v26, v24;
	v17 =	vadd.s32 v26, v19;
	v19, _, _ =	vpop (xrf0)  }
0xf4: {  	[tilespmem:v22+s16+$0x0] =	vst.idx.msk vm6, v14;
	v22 =	vadd.f32 $-1.000000000e+00, v63;
	v24 =	vmax.f32 v63, v8;
	v14 =	vld [tilespmem:s21+$0x20];
	v19 =	vadd.s32 v21, v19  }
0xf5: {  	(xrf0) =	vadd.scan.msk.s32 vm4, v0;
	v20 =	vadd.f32 $-1.000000000e+00, v24;
	v21 =	vmax.f32 v24, v10  }
0xf6: {  	s22 =	simm.s32 $0x8;
	[tilespmem:v23+s16+$0x0] =	vst.idx.msk vm5, v15;
	vm5 =	vgt.f32 v8, v22;
	v15 =	vld [tilespmem:s21+$0x30];
	v22 =	vadd.f32 $-1.000000000e+00, v21;
	v21 =	vmax.f32 v21, v9  }
.LBB2_12:
0xf7: {  	s22 =	sadd.s32 $0x8, s22;
	v23 =	vmpcnt.ones.xlane vm4;
	v24 =	vmax.f32 v21, v13;
	(xrf0) =	vadd.scan.msk.s32 vm5, v0;
	[tilespmem:v18+s16+$0x0] =	vst.idx.msk vm3, v6  }
0xf8: {  	p0 =	slt.u32 s22, $0x7F8;
	vm7 =	vgt.f32 v9, v22;
	v6 =	vadd.f32 $-1.000000000e+00, v24;
	v18 =	vmax.f32 v24, v12;
	[tilespmem:v16+s16+$0x0] =	vst.idx.msk vm1, v3  }
0xf9: {  	v3 =	vmovc v10;
	v16 =	vadd.f32 $-1.000000000e+00, v18;
	v18 =	vmax.f32 v18, v14;
	(xrf0) =	vadd.scan.msk.s32 vm7, v0;
	[tilespmem:v19+s16+$0x0] =	vst.idx.msk vm2, v4  }
0xfa: {  	v10 =	vadd.f32 $-1.000000000e+00, v21;
	v4 =	vmovc v13;
	vm6 =	vgt.f32 v12, v6;
	v19 =	vadd.f32 $-1.000000000e+00, v18;
	[tilespmem:v17+s16+$0x0] =	vst.idx.msk vm0, v5  }
0xfb: {  	vm1 =	vgt.f32 v3, v20;
	vm3 =	vgt.f32 v14, v16;
	v17 =	vmax.f32 v18, v15;
	(xrf0) =	vadd.scan.msk.s32 vm6, v0  }
0xfc: {  	v5 =	vmpcnt.ones.xlane vm5;
	vm2 =	vgt.f32 v4, v10;
	vm0 =	vgt.f32 v15, v19;
	v6, _, _ =	vpop (xrf0);
	(xrf0) =	vadd.scan.msk.s32 vm3, v0  }
0xfd: {  	v10 =	vadd.s32 v11, v23;
	v13 =	vmpcnt.ones.xlane vm1;
	v16 =	vmpcnt.ones.xlane vm2;
	v18, _, _ =	vpop (xrf0);
	(xrf0) =	vadd.scan.msk.s32 vm1, v0  }
0xfe: {  	v21 =	vmovc v12;
	v24 =	vmpcnt.ones.xlane vm7;
	v19 =	vadd.s32 v10, v5;
	v18 =	vadd.s32 v10, v18;
	(xrf0) =	vadd.scan.msk.s32 vm0, v0  }
0xff: {  	s21 =	sadd.s32 $0x80, s21;
	v11 =	vadd.s32 v11, v6;
	v6 =	vmov v14;
	v10 =	vadd.s32 v19, v13;
	v12, _, _ =	vpop (xrf0);
	(xrf0) =	vadd.scan.msk.s32 vm2, v0  }
0x100: {  	v27 =	vmpcnt.ones.xlane vm6;
	v5 =	vmovc v15;
	v22 =	vadd.s32 v10, v24;
	v20 =	vld [tilespmem:s21+$0xFFFFFFC0];
	v14 =	vadd.s32 v10, v12  }
0x101: {  	v25 =	vadd.s32 v22, v16;
	v16 =	vmpcnt.ones.xlane vm3;
	v15 =	vld [tilespmem:s21+$0xFFFFFFD0];
	v23, _, _ =	vpop (xrf0)  }
0x102: {  	v24 =	vmpcnt.ones.xlane vm0;
	v26 =	vadd.s32 v25, v27;
	v10 =	vld [tilespmem:s21+$0xFFFFFFE0];
	v23 =	vadd.s32 v25, v23;
	v13, _, _ =	vpop (xrf0)  }
0x103: {  	v25 =	vld [tilespmem:s21+$0xFFFFFFF0];
	[tilespmem:v18+s16+$0x0] =	vst.idx.msk vm5, v8;
	v18 =	vadd.s32 v26, v13;
	v8 =	vadd.s32 v26, v16;
	v12, _, _ =	vpop (xrf0)  }
.Ltmp13:
0x104: {  	v13 =	vld [tilespmem:s21+$0x0];
	[tilespmem:v11+s16+$0x0] =	vst.idx.msk vm4, v7;
	v16 =	vadd.s32 v19, v12;
	v11 =	vadd.s32 v8, v24;
	v7, _, _ =	vpop (xrf0);
	(pc) =	sbr.rel @p0 .LBB2_12-.Ltmp13, $4  }
0x105: {  	v24 =	vadd.f32 $-1.000000000e+00, v17;
	v19 =	vmax.f32 v17, v20;
	v12 =	vld [tilespmem:s21+$0x10];
	[tilespmem:v14+s16+$0x0] =	vst.idx.msk vm7, v9;
	v17 =	vadd.s32 v8, v7;
	v7, _, _ =	vpop (xrf0)  }
0x106: {  	v27 =	vadd.f32 $-1.000000000e+00, v19;
	v26 =	vmax.f32 v19, v15;
	v14 =	vld [tilespmem:s21+$0x20];
	v19 =	vadd.s32 v22, v7;
	v7 =	vmovc v20;
	v8 =	vmovc v15  }
0x107: {  	vm4 =	vgt.f32 v7, v24;
	v20 =	vadd.f32 $-1.000000000e+00, v26;
	v15 =	vmax.f32 v26, v10;
	[tilespmem:v23+s16+$0x0] =	vst.idx.msk vm6, v21  }
0x108: {  	vm5 =	vgt.f32 v8, v27;
	v22 =	vadd.f32 $-1.000000000e+00, v15;
	v21 =	vmax.f32 v15, v25;
	v15 =	vld [tilespmem:s21+$0x30];
	(xrf0) =	vadd.scan.msk.s32 vm4, v0;
	v9 =	vmovc v25  }
0x109: {  	v23 =	vmax.f32 v21, v13  }
0x10a: {  	v24 =	vmpcnt.ones.xlane vm4;
	v52 =	vadd.f32 $-1.000000000e+00, v21;
	vm6 =	vgt.f32 v10, v20  }
0x10b: {  	v53 =	vmpcnt.ones.xlane vm5;
	vm7 =	vgt.f32 v9, v22;
	v51 =	vmax.f32 v23, v12  }
0x10c: {  	v23 =	vadd.f32 $-1.000000000e+00, v23;
	v55 =	vmpcnt.ones.xlane vm6;
	v25 =	vadd.f32 $-1.000000000e+00, v51  }
0x10d: {  	v22 =	vmax.f32 v51, v14;
	v54 =	vadd.s32 v11, v24;
	vm8 =	vgt.f32 v13, v52  }
0x10e: {  	(xrf0) =	vadd.scan.msk.s32 vm5, v0;
	v56 =	vmpcnt.ones.xlane vm7;
	vm9 =	vgt.f32 v12, v23;
	v20 =	vadd.s32 v54, v53  }
0x10f: {  	(xrf0) =	vadd.scan.msk.s32 vm7, v0;
	v26 =	vadd.f32 $-1.000000000e+00, v22;
	v27 =	vmpcnt.ones.xlane vm8;
	v24 =	vadd.s32 v20, v55  }
0x110: {  	vm11 =	vgt.f32 v14, v25;
	(xrf0) =	vadd.scan.msk.s32 vm9, v0;
	v57 =	vmpcnt.ones.xlane vm9;
	v21 =	vadd.s32 v24, v56  }
0x111: {  	vm10 =	vgt.f32 v15, v26;
	(xrf0) =	vadd.scan.msk.s32 vm11, v0;
	v59 =	vmpcnt.ones.xlane vm11;
	v58 =	vadd.s32 v21, v27  }
0x112: {  	(xrf0) =	vadd.scan.msk.s32 vm6, v0;
	v28 =	vmpcnt.ones.xlane vm10;
	v25 =	vadd.s32 v58, v57  }
0x113: {  	v29, _, _ =	vpop (xrf0);
	(xrf0) =	vadd.scan.msk.s32 vm10, v0;
	v27 =	vadd.s32 v25, v59  }
0x114: {  	v22 =	vmax.f32 v22, v15;
	v30, _, _ =	vpop (xrf0);
	(xrf0) =	vadd.scan.msk.s32 vm8, v0;
	v28 =	vadd.s32 v27, v28  }
0x115: {  	v31, _, _ =	vpop (xrf0);
	(xrf0) =	vmax.scan.msk.f32 $0xffff, v22;
	v60 =	vxor.u32 $0x80000000, v28  }
0x116: {  	v32, _, _ =	vpop (xrf0);
	(xrf0) =	vmax.scan.msk.u32 $0xffff, v60  }
0x117: {  	v61, _, _ =	vpop (xrf0)  }
0x118: {  	v33, _, _ =	vpop (xrf0)  }
0x119: {  	v34, _, _ =	vpop (xrf0)  }
0x11a: {  	v35, _, _ =	vpop (xrf0)  }
0x11b: {  	v36, _, _ =	vpop (xrf0)  }
0x11c: {  	v37, _, _ =	vpop (xrf0)  }
0x11d: {  	(v2sf) =	vpush v37, $0xF;
	_ =	sdelay $0x9  }
0x11e: {  	[tilespmem:v18+s16+$0x0] =	vst.idx.msk vm3, v6;
	v6 =	vadd.s32 v11, v29  }
0x11f: {  	[tilespmem:v16+s16+$0x0] =	vst.idx.msk vm1, v3;
	v3 =	vadd.s32 v24, v31  }
0x120: {  	v23 =	vadd.s32 v54, v30  }
0x121: {  	[tilespmem:v19+s16+$0x0] =	vst.idx.msk vm2, v4;
	v4 =	vadd.s32 v58, v32  }
0x122: {  	[tilespmem:v17+s16+$0x0] =	vst.idx.msk vm0, v5;
	v5 =	vadd.s32 v25, v61  }
0x123: {  	[tilespmem:v6+s16+$0x0] =	vst.idx.msk vm4, v7;
	v62 =	vadd.s32 v20, v33;
	s21 =	spop (v2sf)  }
0x124: {  	[tilespmem:v3+s16+$0x0] =	vst.idx.msk vm7, v9;
	v3 =	vadd.s32 v27, v34;
	s21 =	sadd.s32 $0x80000010, s21  }
0x125: {  	[tilespmem:v23+s16+$0x0] =	vst.idx.msk vm5, v8;
	v6 =	vadd.s32 v21, v35;
	v7 =	vadd.f32 $-1.000000000e+00, v36;
	s21 =	sshrl.u32 s21, $0x4  }
0x126: {  	v63 =	vadd.s32 v1, v28;
	[tilespmem:v4+s16+$0x0] =	vst.idx.msk vm9, v12;
	p0 =	seq.s32 s21, $0x0  }
.Ltmp14:
0x127: {  	[tilespmem:v5+s16+$0x0] =	vst.idx.msk vm11, v14;
	v4 =	vbroadcast v7, $0xF;
	(pc) =	sbr.rel @p0 .LBB2_14-.Ltmp14, $4  }
0x128: {  	[tilespmem:v62+s16+$0x0] =	vst.idx.msk vm6, v10  }
0x129: {  	[tilespmem:v3+s16+$0x0] =	vst.idx.msk vm10, v15;
	v5 =	vadd.f32 $-1.000000000e+00, v4  }
0x12a: {  	s22 =	simm.s32 $0x10000;
	[tilespmem:v6+s16+$0x0] =	vst.idx.msk vm8, v13  }
0x12b: {  	v3 =	vimm.f32 $0.0e+00;
	[tilespmem:v63+s22+$0x0] =	vst.idx.msk $0xffff, v5  }
0x12c: {  	v6 =	vld [tilespmem:s22+$0x0];
	p1 =	sne.s32 s21, $0x1  }
.Ltmp15:
0x12d: {  	_ = 	snop;
	(pc) =	sbr.rel @!p1 .LBB2_24-.Ltmp15, $2  }
0x12e: {  	_ =	sdelay $0x2  }
0x12f: {  	s22 =	sadd.s32 $0xFFFFFFFF, s21;
	s23 =	simm.s32 $0x10010;
	v5 =	vimm.f32 $0.0e+00;
	v7 =	vmul.f32 $0.0e+00, v6  }
.LBB2_23:
0x130: {  	v8 =	vld [tilespmem:s23+$0x0];
	p1 =	sne.s32 s22, $0x1;
	s22 =	sadd.s32 $0xFFFFFFFF, s22  }
.Ltmp16:
0x131: {  	v7 =	vadd.f32 $1.000000000e+00, v7;
	(pc) =	sbr.rel @p1 .LBB2_23-.Ltmp16, $4  }
0x132: {  	vm0 =	vgt.f32 v6, v4  }
0x133: {  	v9 =	vnsel vm0, $0x0, v6;
	v7 =	vnsel vm0, $0x0, v7  }
0x134: {  	v3 =	vadd.f32 v9, v3;
	v5 =	vadd.f32 v7, v5  }
0x135: {  	s23 =	sadd.s32 $0x10, s23;
	v7 =	vmul.f32 $0.0e+00, v8;
	v6 =	vmov v8  }
.LBB2_24:
.Ltmp17:
0x136: {  	_ = 	snop;
	(pc) =	sbr.rel .LBB2_25-.Ltmp17, $4  }
0x137: {  	v7 =	vadd.f32 $1.000000000e+00, v7  }
0x138: {  	vm0 =	vgt.f32 v6, v4  }
0x139: {  	v6 =	vnsel vm0, $0x0, v6;
	v7 =	vnsel vm0, $0x0, v7  }
0x13a: {  	v3 =	vadd.f32 v6, v3;
	v5 =	vadd.f32 v7, v5  }
.LBB2_14:
0x13b: {  	v5 =	vimm.f32 $0.0e+00  }
.LBB2_25:
0x13c: {  	_ = 	snop  }
0x13d: {  	(xrf2) =	vadd.scan.msk.f32 $0xffff, v3  }
0x13e: {  	(xrf2) =	vadd.scan.msk.f32 $0xffff, v5;
	_ =	sdelay $0x8  }
0x13f: {  	v3, _, _ =	vpop (xrf2)  }
0x140: {  	v5, _, _ =	vpop (xrf2)  }
0x141: {  	v5 =	vmax.f32 v5, $1.000000000e+00  }
0x142: {  	v5 =	vbroadcast v5, $0xF;
	_ =	sdelay $0x1  }
0x143: {  	(erf) = vrcp.f32 v5;
	_ =	sdelay $0x5  }
0x144: {  	v3 =	vadd.f32 $-1.000000000e+00, v3;
	_ =	sdelay $0x1  }
0x145: {  	v3 =	vbroadcast v3, $0xF  }
0x146: {  	v5 =	vpop (erf)  }
0x147: {  	v3 =	vmul.f32 v5, v3;
	_ =	sdelay $0x1  }
0x148: {  	vm0 =	vlt.f32 v3, v4;
	vm1 =	vgt.f32 v3, v4  }
0x149: {  	vm0 =	vmor vm1, vm0  }
0x14a: {  	v4 =	vsel vm0, $0x3F800000, v2  }
0x14b: {  	(xrf0) =	vmax.scan.msk.f32 $0xffff, v4;
	_ =	sdelay $0x5  }
0x14c: {  	v4, _, _ =	vpop (xrf0)  }
0x14d: {  	(v2sf) =	vpush v4, $0xF;
	_ =	sdelay $0xe  }
0x14e: {  	s22 =	spop (v2sf)  }
0x14f: {  	p1 =	sgt.f32 s22, $0.0e+00  }
.Ltmp18:
0x150: {  	_ = 	snop;
	(pc) =	sbr.rel @p1 .LBB2_32-.Ltmp18, $4  }
.Ltmp19:
0x151: {  	_ = 	snop;
	(pc) =	sbr.rel @!p1 .LBB2_26-.Ltmp19, $4  }
0x152: {  	_ = 	snop  }
0x153: {  	_ = 	snop  }
0x154: {  	s22 =	simm.s32 $0x0  }
0x155: {  	_ = 	snop  }
.LBB2_33:
0x156: {  	v5 =	vimm.f32 $0.0e+00  }
.LBB2_37:
0x157: {  	(xrf2) =	vadd.scan.msk.f32 $0xffff, v4  }
0x158: {  	(xrf2) =	vadd.scan.msk.f32 $0xffff, v5;
	_ =	sdelay $0x8  }
0x159: {  	v4, _, _ =	vpop (xrf2)  }
0x15a: {  	v5, _, _ =	vpop (xrf2)  }
0x15b: {  	v5 =	vmax.f32 v5, $1.000000000e+00  }
0x15c: {  	v5 =	vbroadcast v5, $0xF;
	_ =	sdelay $0x1  }
0x15d: {  	(erf) = vrcp.f32 v5;
	_ =	sdelay $0x5  }
0x15e: {  	v4 =	vadd.f32 $-1.000000000e+00, v4;
	_ =	sdelay $0x1  }
0x15f: {  	v4 =	vbroadcast v4, $0xF  }
0x160: {  	v5 =	vpop (erf)  }
0x161: {  	v4 =	vmul.f32 v5, v4;
	_ =	sdelay $0x1  }
0x162: {  	vm0 =	vlt.f32 v4, v3;
	vm1 =	vgt.f32 v4, v3  }
0x163: {  	vm0 =	vmor vm1, vm0  }
0x164: {  	v3 =	vsel vm0, $0x3F800000, v2  }
0x165: {  	(xrf0) =	vmax.scan.msk.f32 $0xffff, v3;
	_ =	sdelay $0x5  }
0x166: {  	v3, _, _ =	vpop (xrf0)  }
0x167: {  	(v2sf) =	vpush v3, $0xF;
	_ =	sdelay $0xe  }
0x168: {  	p1 =	sgt.u32 s22, $0x1E;
	s23 =	spop (v2sf)  }
0x169: {  	p2 =	sgt.f32 @!p1 s23, $0.0e+00;
	_ =	sdelay $0x1  }
0x16a: {  	p2 =	por p1, !p2  }
.Ltmp20:
0x16b: {  	_ = 	snop;
	(pc) =	sbr.rel @p2 .LBB2_38-.Ltmp20, $2  }
0x16c: {  	_ =	sdelay $0x2  }
0x16d: {  	s22 =	sadd.s32 $0x1, s22;
	v3 =	vmov v4  }
.LBB2_32:
.Ltmp21:
0x16e: {  	(pc) =	sbr.rel @p0 .LBB2_33-.Ltmp21, $2  }
0x16f: {  	_ =	sdelay $0x2  }
0x170: {  	s23 =	simm.s32 $0x10000;
	v4 =	vimm.f32 $0.0e+00  }
0x171: {  	v6 =	vld [tilespmem:s23+$0x0];
	p1 =	sne.s32 s21, $0x1  }
.Ltmp22:
0x172: {  	_ = 	snop;
	(pc) =	sbr.rel @!p1 .LBB2_36-.Ltmp22, $2  }
0x173: {  	_ =	sdelay $0x2  }
0x174: {  	s23 =	sadd.s32 $0xFFFFFFFF, s21;
	s24 =	simm.s32 $0x10010;
	v5 =	vimm.f32 $0.0e+00;
	v7 =	vmul.f32 $0.0e+00, v6  }
.LBB2_35:
0x175: {  	v8 =	vld [tilespmem:s24+$0x0];
	p1 =	sne.s32 s23, $0x1;
	s23 =	sadd.s32 $0xFFFFFFFF, s23  }
.Ltmp23:
0x176: {  	v7 =	vadd.f32 $1.000000000e+00, v7;
	(pc) =	sbr.rel @p1 .LBB2_35-.Ltmp23, $4  }
0x177: {  	vm0 =	vgt.f32 v6, v3  }
0x178: {  	v9 =	vnsel vm0, $0x0, v6;
	v7 =	vnsel vm0, $0x0, v7  }
0x179: {  	v4 =	vadd.f32 v9, v4;
	v5 =	vadd.f32 v7, v5  }
0x17a: {  	s24 =	sadd.s32 $0x10, s24;
	v7 =	vmul.f32 $0.0e+00, v8;
	v6 =	vmov v8  }
.LBB2_36:
.Ltmp24:
0x17b: {  	_ = 	snop;
	(pc) =	sbr.rel .LBB2_37-.Ltmp24, $4  }
0x17c: {  	vm0 =	vgt.f32 v6, v3;
	v7 =	vadd.f32 $1.000000000e+00, v7  }
0x17d: {  	v6 =	vnsel vm0, $0x0, v6  }
0x17e: {  	v4 =	vadd.f32 v6, v4;
	v7 =	vnsel vm0, $0x0, v7  }
0x17f: {  	v5 =	vadd.f32 v7, v5  }
.LBB2_38:
0x180: {  	v3 =	vpsel p1, v4, v4  }
.LBB2_26:
0x181: {  	s21 =	simm.s32 $0x8040  }
0x182: {  	v5 =	vld [tilespmem:s21+$0x30]  }
0x183: {  	v7 =	vld [tilespmem:s21+$0xFFFFFFD0]  }
0x184: {  	v9 =	vld [tilespmem:s21+$0xFFFFFFE0]  }
0x185: {  	v8 =	vld [tilespmem:s21+$0xFFFFFFF0]  }
0x186: {  	v6 =	vld [tilespmem:s21+$0x0]  }
0x187: {  	v4 =	vld [tilespmem:s21+$0x10];
	v11 =	vsub.f32 v5, v3  }
0x188: {  	v5 =	vld [tilespmem:s21+$0x20];
	v10 =	vsub.f32 v7, v3  }
0x189: {  	s22 =	simm.s32 $0x0;
	s23 =	simm.s32 $0x80C0;
	v7 =	vld [tilespmem:s21+$0xFFFFFFC0];
	v9 =	vsub.f32 v9, v3;
	v11 =	vmax.f32 v11, $0.0e+00  }
.LBB2_27:
0x18a: {  	v12 =	vld [tilespmem:s23+$0x30];
	s22 =	sadd.s32 $0x8, s22;
	v10 =	vmax.f32 v10, $0.0e+00;
	v8 =	vsub.f32 v8, v3;
	[tilespmem:s21+$0x30] =	vst v11  }
0x18b: {  	v11 =	vld [tilespmem:s23+$0xFFFFFFD0];
	p0 =	slt.u32 s22, $0x7F8;
	[tilespmem:s21+$0xFFFFFFD0] =	vst v10;
	v9 =	vmax.f32 v9, $0.0e+00;
	v6 =	vsub.f32 v6, v3  }
0x18c: {  	v13 =	vld [tilespmem:s23+$0xFFFFFFE0];
	[tilespmem:s21+$0xFFFFFFE0] =	vst v9;
	v9 =	vmax.f32 v8, $0.0e+00;
	v4 =	vsub.f32 v4, v3  }
.Ltmp25:
0x18d: {  	v8 =	vld [tilespmem:s23+$0xFFFFFFF0];
	[tilespmem:s21+$0xFFFFFFF0] =	vst v9;
	v9 =	vmax.f32 v6, $0.0e+00;
	v5 =	vsub.f32 v5, v3;
	(pc) =	sbr.rel @p0 .LBB2_27-.Ltmp25, $4  }
0x18e: {  	v6 =	vld [tilespmem:s23+$0x0];
	v7 =	vsub.f32 v7, v3;
	[tilespmem:s21+$0x0] =	vst v9;
	v9 =	vmax.f32 v4, $0.0e+00  }
0x18f: {  	v4 =	vld [tilespmem:s23+$0x10];
	v12 =	vsub.f32 v12, v3;
	[tilespmem:s21+$0x10] =	vst v9;
	v9 =	vmax.f32 v5, $0.0e+00  }
0x190: {  	v10 =	vsub.f32 v11, v3;
	v5 =	vld [tilespmem:s23+$0x20];
	v14 =	vmax.f32 v7, $0.0e+00;
	[tilespmem:s21+$0x20] =	vst v9  }
0x191: {  	v7 =	vld [tilespmem:s23+$0xFFFFFFC0];
	v9 =	vsub.f32 v13, v3;
	v11 =	vmax.f32 v12, $0.0e+00;
	[tilespmem:s21+$0xFFFFFFC0] =	vst v14;
	s21 =	smov.u32 s23;
	s23 =	sadd.s32 $0x80, s23  }
0x192: {  	v10 =	vmax.f32 v10, $0.0e+00;
	v8 =	vsub.f32 v8, v3;
	[tilespmem:s21+$0x30] =	vst v11  }
0x193: {  	[tilespmem:s21+$0xFFFFFFD0] =	vst v10;
	v9 =	vmax.f32 v9, $0.0e+00;
	v6 =	vsub.f32 v6, v3  }
0x194: {  	[tilespmem:s21+$0xFFFFFFE0] =	vst v9;
	v8 =	vmax.f32 v8, $0.0e+00;
	v4 =	vsub.f32 v4, v3  }
0x195: {  	[tilespmem:s21+$0xFFFFFFF0] =	vst v8;
	v6 =	vmax.f32 v6, $0.0e+00;
	v5 =	vsub.f32 v5, v3  }
0x196: {  	v3 =	vsub.f32 v7, v3;
	[tilespmem:s21+$0x0] =	vst v6;
	v4 =	vmax.f32 v4, $0.0e+00  }
0x197: {  	[tilespmem:s21+$0x10] =	vst v4;
	v4 =	vmax.f32 v5, $0.0e+00  }
0x198: {  	v3 =	vmax.f32 v3, $0.0e+00;
	[tilespmem:s21+$0x20] =	vst v4  }
0x199: {  	[tilespmem:s21+$0xFFFFFFC0] =	vst v3  }
0x19a: {  	[hbm4b:s7+s12] =	stream.strided.scatter [tilespmem:s14], [sflag:$0x4], $0x8000, s13, s12, $0x38;
	[tilespmem:$0x18080] =	vst v63  }
0x19b: {  	_ =	swait.ge [sflag:s19], $0x8000  }
0x19c: {  	[sflag:s19] =	ssyncset.done $0x0  }
0x19d: {  	[sflag:s19] =	ssyncadd.s32 $0xFFFF8000  }
0x19e: {  	[tilespmem:s14], [sflag:$0x2] =	stream.strided.gather [hbm4b:s8+s12], $0x8000, s13, s12, $0x38;
	[tilespmem:$0x18080] =	vst v63  }
0x19f: {  	_ =	swait.ge [sflag:s15], $0x8000  }
0x1a0: {  	[sflag:s15] =	ssyncset.done $0x0  }
0x1a1: {  	s31 =	simm.s32 $0x40;
	[sflag:s15] =	ssyncadd.s32 $0xFFFF8000  }
0x1a2: {  	v12 =	vld [tilespmem:s31+$0xFFFFFFC0]  }
0x1a3: {  	v11 =	vld [tilespmem:s31+$0xFFFFFFD0]  }
0x1a4: {  	v3 =	vld [tilespmem:s31+$0xFFFFFFE0]  }
0x1a5: {  	v14 =	vld [tilespmem:s31+$0xFFFFFFF0]  }
0x1a6: {  	v5 =	vimm.f32 $-3.000000010e+38;
	v4 =	vld [tilespmem:s31+$0x0]  }
0x1a7: {  	v7 =	vadd.f32 $-1.000000000e+00, v5;
	v15 =	vld [tilespmem:s31+$0x10];
	v5 =	vmax.f32 v5, v12  }
0x1a8: {  	v6 =	vld [tilespmem:s31+$0x20];
	v9 =	vmax.f32 v5, v11  }
0x1a9: {  	v8 =	vadd.f32 $-1.000000000e+00, v5;
	v5 =	vmax.f32 v9, v3  }
0x1aa: {  	vm4 =	vgt.f32 v12, v7;
	v7 =	vmax.f32 v5, v14  }
0x1ab: {  	(xrf0) =	vadd.scan.msk.s32 vm4, v0;
	vm7 =	vgt.f32 v11, v8;
	v8 =	vadd.f32 $-1.000000000e+00, v5;
	v10 =	vmax.f32 v7, v4  }
0x1ac: {  	(xrf0) =	vadd.scan.msk.s32 vm7, v0;
	v16 =	vadd.f32 $-1.000000000e+00, v10;
	v10 =	vmax.f32 v10, v15  }
0x1ad: {  	v5 =	vld [tilespmem:s31+$0x30];
	v7 =	vadd.f32 $-1.000000000e+00, v7;
	vm6 =	vgt.f32 v14, v8;
	v17 =	vmax.f32 v10, v6  }
0x1ae: {  	v8 =	vadd.f32 $-1.000000000e+00, v10;
	vm5 =	vgt.f32 v15, v16;
	v16 =	vadd.f32 $-1.000000000e+00, v17  }
0x1af: {  	v9 =	vadd.f32 $-1.000000000e+00, v9;
	(xrf0) =	vadd.scan.msk.s32 vm6, v0  }
0x1b0: {  	v13 =	vimm.s32 $0xFFFFFFFF;
	v10 =	vmpcnt.ones.xlane vm4;
	vm3 =	vgt.f32 v6, v8;
	(xrf0) =	vadd.scan.msk.s32 vm5, v0  }
0x1b1: {  	s21 =	simm.s32 $0xC0;
	vm1 =	vgt.f32 v3, v9;
	vm2 =	vgt.f32 v4, v7;
	v8 =	vmpcnt.ones.xlane vm7;
	v7, _, _ =	vpop (xrf0);
	(xrf0) =	vadd.scan.msk.s32 vm3, v0  }
0x1b2: {  	v9 =	vadd.s32 v13, v10;
	vm0 =	vgt.f32 v5, v16;
	v20 =	vadd.s32 v13, v7;
	v7 =	vld [tilespmem:s21+$0xFFFFFFC0];
	v16, _, _ =	vpop (xrf0);
	(xrf0) =	vadd.scan.msk.s32 vm1, v0  }
0x1b3: {  	v10 =	vmpcnt.ones.xlane vm1;
	v16 =	vadd.s32 v9, v16;
	(xrf0) =	vadd.scan.msk.s32 vm0, v0  }
0x1b4: {  	v17 =	vmax.f32 v17, v5;
	v19 =	vadd.s32 v9, v8;
	v8 =	vmpcnt.ones.xlane vm6;
	(xrf0) =	vadd.scan.msk.s32 vm2, v0  }
0x1b5: {  	v13 =	vmpcnt.ones.xlane vm5;
	v10 =	vadd.s32 v19, v10;
	v9 =	vmpcnt.ones.xlane vm2;
	v18, _, _ =	vpop (xrf0)  }
0x1b6: {  	v24 =	vmpcnt.ones.xlane vm0;
	v21 =	vadd.s32 v10, v8;
	v8 =	vld [tilespmem:s21+$0xFFFFFFD0];
	v22 =	vadd.s32 v10, v18;
	v23, _, _ =	vpop (xrf0)  }
0x1b7: {  	v18 =	vmpcnt.ones.xlane vm3;
	v10 =	vld [tilespmem:s21+$0xFFFFFFE0];
	v9 =	vadd.s32 v21, v9;
	[tilespmem:v20+s16+$0x0] =	vst.idx.msk vm4, v12;
	v63 =	vmax.f32 v17, v7;
	v25, _, _ =	vpop (xrf0)  }
0x1b8: {  	v20 =	vadd.f32 $-1.000000000e+00, v17;
	v23 =	vadd.s32 v9, v23;
	v13 =	vadd.s32 v9, v13;
	v9 =	vld [tilespmem:s21+$0xFFFFFFF0];
	[tilespmem:v16+s16+$0x0] =	vst.idx.msk vm7, v11;
	v11, _, _ =	vpop (xrf0)  }
0x1b9: {  	v26 =	vadd.s32 v13, v18;
	v18 =	vadd.s32 v13, v25;
	v13 =	vld [tilespmem:s21+$0x0];
	v16 =	vadd.s32 v19, v11;
	v19, _, _ =	vpop (xrf0)  }
0x1ba: {  	v12 =	vld [tilespmem:s21+$0x10];
	vm4 =	vgt.f32 v7, v20;
	v11 =	vadd.s32 v26, v24;
	v17 =	vadd.s32 v26, v19;
	v19, _, _ =	vpop (xrf0)  }
0x1bb: {  	[tilespmem:v22+s16+$0x0] =	vst.idx.msk vm6, v14;
	v22 =	vadd.f32 $-1.000000000e+00, v63;
	v24 =	vmax.f32 v63, v8;
	v14 =	vld [tilespmem:s21+$0x20];
	v19 =	vadd.s32 v21, v19  }
0x1bc: {  	(xrf0) =	vadd.scan.msk.s32 vm4, v0;
	v20 =	vadd.f32 $-1.000000000e+00, v24;
	v21 =	vmax.f32 v24, v10  }
0x1bd: {  	s22 =	simm.s32 $0x8;
	[tilespmem:v23+s16+$0x0] =	vst.idx.msk vm5, v15;
	vm5 =	vgt.f32 v8, v22;
	v15 =	vld [tilespmem:s21+$0x30];
	v22 =	vadd.f32 $-1.000000000e+00, v21;
	v21 =	vmax.f32 v21, v9  }
.LBB2_29:
0x1be: {  	s22 =	sadd.s32 $0x8, s22;
	v23 =	vmpcnt.ones.xlane vm4;
	v24 =	vmax.f32 v21, v13;
	(xrf0) =	vadd.scan.msk.s32 vm5, v0;
	[tilespmem:v18+s16+$0x0] =	vst.idx.msk vm3, v6  }
0x1bf: {  	p0 =	slt.u32 s22, $0x7F8;
	vm7 =	vgt.f32 v9, v22;
	v6 =	vadd.f32 $-1.000000000e+00, v24;
	v18 =	vmax.f32 v24, v12;
	[tilespmem:v16+s16+$0x0] =	vst.idx.msk vm1, v3  }
0x1c0: {  	v3 =	vmovc v10;
	v16 =	vadd.f32 $-1.000000000e+00, v18;
	v18 =	vmax.f32 v18, v14;
	(xrf0) =	vadd.scan.msk.s32 vm7, v0;
	[tilespmem:v19+s16+$0x0] =	vst.idx.msk vm2, v4  }
0x1c1: {  	v10 =	vadd.f32 $-1.000000000e+00, v21;
	v4 =	vmovc v13;
	vm6 =	vgt.f32 v12, v6;
	v19 =	vadd.f32 $-1.000000000e+00, v18;
	[tilespmem:v17+s16+$0x0] =	vst.idx.msk vm0, v5  }
0x1c2: {  	vm1 =	vgt.f32 v3, v20;
	vm3 =	vgt.f32 v14, v16;
	v17 =	vmax.f32 v18, v15;
	(xrf0) =	vadd.scan.msk.s32 vm6, v0  }
0x1c3: {  	v5 =	vmpcnt.ones.xlane vm5;
	vm2 =	vgt.f32 v4, v10;
	vm0 =	vgt.f32 v15, v19;
	v6, _, _ =	vpop (xrf0);
	(xrf0) =	vadd.scan.msk.s32 vm3, v0  }
0x1c4: {  	v10 =	vadd.s32 v11, v23;
	v13 =	vmpcnt.ones.xlane vm1;
	v16 =	vmpcnt.ones.xlane vm2;
	v18, _, _ =	vpop (xrf0);
	(xrf0) =	vadd.scan.msk.s32 vm1, v0  }
0x1c5: {  	v21 =	vmovc v12;
	v24 =	vmpcnt.ones.xlane vm7;
	v19 =	vadd.s32 v10, v5;
	v18 =	vadd.s32 v10, v18;
	(xrf0) =	vadd.scan.msk.s32 vm0, v0  }
0x1c6: {  	s21 =	sadd.s32 $0x80, s21;
	v11 =	vadd.s32 v11, v6;
	v6 =	vmov v14;
	v10 =	vadd.s32 v19, v13;
	v12, _, _ =	vpop (xrf0);
	(xrf0) =	vadd.scan.msk.s32 vm2, v0  }
0x1c7: {  	v27 =	vmpcnt.ones.xlane vm6;
	v5 =	vmovc v15;
	v22 =	vadd.s32 v10, v24;
	v20 =	vld [tilespmem:s21+$0xFFFFFFC0];
	v14 =	vadd.s32 v10, v12  }
0x1c8: {  	v25 =	vadd.s32 v22, v16;
	v16 =	vmpcnt.ones.xlane vm3;
	v15 =	vld [tilespmem:s21+$0xFFFFFFD0];
	v23, _, _ =	vpop (xrf0)  }
0x1c9: {  	v24 =	vmpcnt.ones.xlane vm0;
	v26 =	vadd.s32 v25, v27;
	v10 =	vld [tilespmem:s21+$0xFFFFFFE0];
	v23 =	vadd.s32 v25, v23;
	v13, _, _ =	vpop (xrf0)  }
0x1ca: {  	v25 =	vld [tilespmem:s21+$0xFFFFFFF0];
	[tilespmem:v18+s16+$0x0] =	vst.idx.msk vm5, v8;
	v18 =	vadd.s32 v26, v13;
	v8 =	vadd.s32 v26, v16;
	v12, _, _ =	vpop (xrf0)  }
.Ltmp26:
0x1cb: {  	v13 =	vld [tilespmem:s21+$0x0];
	[tilespmem:v11+s16+$0x0] =	vst.idx.msk vm4, v7;
	v16 =	vadd.s32 v19, v12;
	v11 =	vadd.s32 v8, v24;
	v7, _, _ =	vpop (xrf0);
	(pc) =	sbr.rel @p0 .LBB2_29-.Ltmp26, $4  }
0x1cc: {  	v24 =	vadd.f32 $-1.000000000e+00, v17;
	v19 =	vmax.f32 v17, v20;
	v12 =	vld [tilespmem:s21+$0x10];
	[tilespmem:v14+s16+$0x0] =	vst.idx.msk vm7, v9;
	v17 =	vadd.s32 v8, v7;
	v7, _, _ =	vpop (xrf0)  }
0x1cd: {  	v27 =	vadd.f32 $-1.000000000e+00, v19;
	v26 =	vmax.f32 v19, v15;
	v14 =	vld [tilespmem:s21+$0x20];
	v19 =	vadd.s32 v22, v7;
	v7 =	vmovc v20;
	v8 =	vmovc v15  }
0x1ce: {  	vm4 =	vgt.f32 v7, v24;
	v20 =	vadd.f32 $-1.000000000e+00, v26;
	v15 =	vmax.f32 v26, v10;
	[tilespmem:v23+s16+$0x0] =	vst.idx.msk vm6, v21  }
0x1cf: {  	vm5 =	vgt.f32 v8, v27;
	v22 =	vadd.f32 $-1.000000000e+00, v15;
	v21 =	vmax.f32 v15, v25;
	v15 =	vld [tilespmem:s21+$0x30];
	(xrf0) =	vadd.scan.msk.s32 vm4, v0;
	v9 =	vmovc v25  }
0x1d0: {  	v23 =	vmax.f32 v21, v13  }
0x1d1: {  	v24 =	vmpcnt.ones.xlane vm4;
	v52 =	vadd.f32 $-1.000000000e+00, v21;
	vm6 =	vgt.f32 v10, v20  }
0x1d2: {  	v53 =	vmpcnt.ones.xlane vm5;
	vm7 =	vgt.f32 v9, v22;
	v51 =	vmax.f32 v23, v12  }
0x1d3: {  	v23 =	vadd.f32 $-1.000000000e+00, v23;
	v55 =	vmpcnt.ones.xlane vm6;
	v25 =	vadd.f32 $-1.000000000e+00, v51  }
0x1d4: {  	v22 =	vmax.f32 v51, v14;
	v54 =	vadd.s32 v11, v24;
	vm8 =	vgt.f32 v13, v52  }
0x1d5: {  	(xrf0) =	vadd.scan.msk.s32 vm5, v0;
	v56 =	vmpcnt.ones.xlane vm7;
	vm9 =	vgt.f32 v12, v23;
	v20 =	vadd.s32 v54, v53  }
0x1d6: {  	(xrf0) =	vadd.scan.msk.s32 vm7, v0;
	v26 =	vadd.f32 $-1.000000000e+00, v22;
	v27 =	vmpcnt.ones.xlane vm8;
	v24 =	vadd.s32 v20, v55  }
0x1d7: {  	vm11 =	vgt.f32 v14, v25;
	(xrf0) =	vadd.scan.msk.s32 vm9, v0;
	v57 =	vmpcnt.ones.xlane vm9;
	v21 =	vadd.s32 v24, v56  }
0x1d8: {  	vm10 =	vgt.f32 v15, v26;
	(xrf0) =	vadd.scan.msk.s32 vm11, v0;
	v59 =	vmpcnt.ones.xlane vm11;
	v58 =	vadd.s32 v21, v27  }
0x1d9: {  	(xrf0) =	vadd.scan.msk.s32 vm6, v0;
	v28 =	vmpcnt.ones.xlane vm10;
	v25 =	vadd.s32 v58, v57  }
0x1da: {  	v29, _, _ =	vpop (xrf0);
	(xrf0) =	vadd.scan.msk.s32 vm10, v0;
	v27 =	vadd.s32 v25, v59  }
0x1db: {  	v22 =	vmax.f32 v22, v15;
	v30, _, _ =	vpop (xrf0);
	(xrf0) =	vadd.scan.msk.s32 vm8, v0;
	v28 =	vadd.s32 v27, v28  }
0x1dc: {  	v31, _, _ =	vpop (xrf0);
	(xrf0) =	vmax.scan.msk.f32 $0xffff, v22;
	v60 =	vxor.u32 $0x80000000, v28  }
0x1dd: {  	v32, _, _ =	vpop (xrf0);
	(xrf0) =	vmax.scan.msk.u32 $0xffff, v60  }
0x1de: {  	v61, _, _ =	vpop (xrf0)  }
0x1df: {  	v33, _, _ =	vpop (xrf0)  }
0x1e0: {  	v34, _, _ =	vpop (xrf0)  }
0x1e1: {  	v35, _, _ =	vpop (xrf0)  }
0x1e2: {  	v36, _, _ =	vpop (xrf0)  }
0x1e3: {  	v37, _, _ =	vpop (xrf0)  }
0x1e4: {  	(v2sf) =	vpush v37, $0xF;
	_ =	sdelay $0x9  }
0x1e5: {  	[tilespmem:v18+s16+$0x0] =	vst.idx.msk vm3, v6;
	v6 =	vadd.s32 v11, v29  }
0x1e6: {  	[tilespmem:v16+s16+$0x0] =	vst.idx.msk vm1, v3;
	v3 =	vadd.s32 v24, v31  }
0x1e7: {  	v23 =	vadd.s32 v54, v30  }
0x1e8: {  	[tilespmem:v19+s16+$0x0] =	vst.idx.msk vm2, v4;
	v4 =	vadd.s32 v58, v32  }
0x1e9: {  	[tilespmem:v17+s16+$0x0] =	vst.idx.msk vm0, v5;
	v5 =	vadd.s32 v25, v61  }
0x1ea: {  	[tilespmem:v6+s16+$0x0] =	vst.idx.msk vm4, v7;
	v62 =	vadd.s32 v20, v33;
	s21 =	spop (v2sf)  }
0x1eb: {  	[tilespmem:v3+s16+$0x0] =	vst.idx.msk vm7, v9;
	v3 =	vadd.s32 v27, v34;
	s21 =	sadd.s32 $0x80000010, s21  }
0x1ec: {  	[tilespmem:v23+s16+$0x0] =	vst.idx.msk vm5, v8;
	v6 =	vadd.s32 v21, v35;
	v7 =	vadd.f32 $-1.000000000e+00, v36;
	s21 =	sshrl.u32 s21, $0x4  }
0x1ed: {  	v63 =	vadd.s32 v1, v28;
	[tilespmem:v4+s16+$0x0] =	vst.idx.msk vm9, v12;
	p0 =	seq.s32 s21, $0x0  }
.Ltmp27:
0x1ee: {  	[tilespmem:v5+s16+$0x0] =	vst.idx.msk vm11, v14;
	v4 =	vbroadcast v7, $0xF;
	(pc) =	sbr.rel @p0 .LBB2_31-.Ltmp27, $4  }
0x1ef: {  	[tilespmem:v62+s16+$0x0] =	vst.idx.msk vm6, v10  }
0x1f0: {  	[tilespmem:v3+s16+$0x0] =	vst.idx.msk vm10, v15;
	v5 =	vadd.f32 $-1.000000000e+00, v4  }
0x1f1: {  	s22 =	simm.s32 $0x10000;
	[tilespmem:v6+s16+$0x0] =	vst.idx.msk vm8, v13  }
0x1f2: {  	v3 =	vimm.f32 $0.0e+00;
	[tilespmem:v63+s22+$0x0] =	vst.idx.msk $0xffff, v5  }
0x1f3: {  	v6 =	vld [tilespmem:s22+$0x0];
	p1 =	sne.s32 s21, $0x1  }
.Ltmp28:
0x1f4: {  	_ = 	snop;
	(pc) =	sbr.rel @!p1 .LBB2_41-.Ltmp28, $2  }
0x1f5: {  	_ =	sdelay $0x2  }
0x1f6: {  	s22 =	sadd.s32 $0xFFFFFFFF, s21;
	s23 =	simm.s32 $0x10010;
	v5 =	vimm.f32 $0.0e+00;
	v7 =	vmul.f32 $0.0e+00, v6  }
.LBB2_40:
0x1f7: {  	v8 =	vld [tilespmem:s23+$0x0];
	p1 =	sne.s32 s22, $0x1;
	s22 =	sadd.s32 $0xFFFFFFFF, s22  }
.Ltmp29:
0x1f8: {  	v7 =	vadd.f32 $1.000000000e+00, v7;
	(pc) =	sbr.rel @p1 .LBB2_40-.Ltmp29, $4  }
0x1f9: {  	vm0 =	vgt.f32 v6, v4  }
0x1fa: {  	v9 =	vnsel vm0, $0x0, v6;
	v7 =	vnsel vm0, $0x0, v7  }
0x1fb: {  	v3 =	vadd.f32 v9, v3;
	v5 =	vadd.f32 v7, v5  }
0x1fc: {  	s23 =	sadd.s32 $0x10, s23;
	v7 =	vmul.f32 $0.0e+00, v8;
	v6 =	vmov v8  }
.LBB2_41:
.Ltmp30:
0x1fd: {  	_ = 	snop;
	(pc) =	sbr.rel .LBB2_42-.Ltmp30, $4  }
0x1fe: {  	v7 =	vadd.f32 $1.000000000e+00, v7  }
0x1ff: {  	vm0 =	vgt.f32 v6, v4  }
0x200: {  	v6 =	vnsel vm0, $0x0, v6;
	v7 =	vnsel vm0, $0x0, v7  }
0x201: {  	v3 =	vadd.f32 v6, v3;
	v5 =	vadd.f32 v7, v5  }
.LBB2_31:
0x202: {  	v5 =	vimm.f32 $0.0e+00  }
.LBB2_42:
0x203: {  	_ = 	snop  }
0x204: {  	(xrf2) =	vadd.scan.msk.f32 $0xffff, v3  }
0x205: {  	(xrf2) =	vadd.scan.msk.f32 $0xffff, v5;
	_ =	sdelay $0x8  }
0x206: {  	v3, _, _ =	vpop (xrf2)  }
0x207: {  	v5, _, _ =	vpop (xrf2)  }
0x208: {  	v5 =	vmax.f32 v5, $1.000000000e+00  }
0x209: {  	v5 =	vbroadcast v5, $0xF;
	_ =	sdelay $0x1  }
0x20a: {  	(erf) = vrcp.f32 v5;
	_ =	sdelay $0x5  }
0x20b: {  	v3 =	vadd.f32 $-1.000000000e+00, v3;
	_ =	sdelay $0x1  }
0x20c: {  	v3 =	vbroadcast v3, $0xF  }
0x20d: {  	v5 =	vpop (erf)  }
0x20e: {  	v3 =	vmul.f32 v5, v3;
	_ =	sdelay $0x1  }
0x20f: {  	vm0 =	vlt.f32 v3, v4;
	vm1 =	vgt.f32 v3, v4  }
0x210: {  	vm0 =	vmor vm1, vm0  }
0x211: {  	v4 =	vsel vm0, $0x3F800000, v2  }
0x212: {  	(xrf0) =	vmax.scan.msk.f32 $0xffff, v4;
	_ =	sdelay $0x5  }
0x213: {  	v4, _, _ =	vpop (xrf0)  }
0x214: {  	(v2sf) =	vpush v4, $0xF;
	_ =	sdelay $0xe  }
0x215: {  	s22 =	spop (v2sf)  }
0x216: {  	p1 =	sgt.f32 s22, $0.0e+00  }
.Ltmp31:
0x217: {  	_ = 	snop;
	(pc) =	sbr.rel @p1 .LBB2_49-.Ltmp31, $4  }
.Ltmp32:
0x218: {  	_ = 	snop;
	(pc) =	sbr.rel @!p1 .LBB2_43-.Ltmp32, $4  }
0x219: {  	_ = 	snop  }
0x21a: {  	_ = 	snop  }
0x21b: {  	s22 =	simm.s32 $0x0  }
0x21c: {  	_ = 	snop  }
.LBB2_50:
0x21d: {  	v5 =	vimm.f32 $0.0e+00  }
.LBB2_54:
0x21e: {  	(xrf2) =	vadd.scan.msk.f32 $0xffff, v4  }
0x21f: {  	(xrf2) =	vadd.scan.msk.f32 $0xffff, v5;
	_ =	sdelay $0x8  }
0x220: {  	v4, _, _ =	vpop (xrf2)  }
0x221: {  	v5, _, _ =	vpop (xrf2)  }
0x222: {  	v5 =	vmax.f32 v5, $1.000000000e+00  }
0x223: {  	v5 =	vbroadcast v5, $0xF;
	_ =	sdelay $0x1  }
0x224: {  	(erf) = vrcp.f32 v5;
	_ =	sdelay $0x5  }
0x225: {  	v4 =	vadd.f32 $-1.000000000e+00, v4;
	_ =	sdelay $0x1  }
0x226: {  	v4 =	vbroadcast v4, $0xF  }
0x227: {  	v5 =	vpop (erf)  }
0x228: {  	v4 =	vmul.f32 v5, v4;
	_ =	sdelay $0x1  }
0x229: {  	vm0 =	vlt.f32 v4, v3;
	vm1 =	vgt.f32 v4, v3  }
0x22a: {  	vm0 =	vmor vm1, vm0  }
0x22b: {  	v3 =	vsel vm0, $0x3F800000, v2  }
0x22c: {  	(xrf0) =	vmax.scan.msk.f32 $0xffff, v3;
	_ =	sdelay $0x5  }
0x22d: {  	v3, _, _ =	vpop (xrf0)  }
0x22e: {  	(v2sf) =	vpush v3, $0xF;
	_ =	sdelay $0xe  }
0x22f: {  	p1 =	sgt.u32 s22, $0x1E;
	s23 =	spop (v2sf)  }
0x230: {  	p2 =	sgt.f32 @!p1 s23, $0.0e+00;
	_ =	sdelay $0x1  }
0x231: {  	p2 =	por p1, !p2  }
.Ltmp33:
0x232: {  	_ = 	snop;
	(pc) =	sbr.rel @p2 .LBB2_55-.Ltmp33, $2  }
0x233: {  	_ =	sdelay $0x2  }
0x234: {  	s22 =	sadd.s32 $0x1, s22;
	v3 =	vmov v4  }
.LBB2_49:
.Ltmp34:
0x235: {  	(pc) =	sbr.rel @p0 .LBB2_50-.Ltmp34, $2  }
0x236: {  	_ =	sdelay $0x2  }
0x237: {  	s23 =	simm.s32 $0x10000;
	v4 =	vimm.f32 $0.0e+00  }
0x238: {  	v6 =	vld [tilespmem:s23+$0x0];
	p1 =	sne.s32 s21, $0x1  }
.Ltmp35:
0x239: {  	_ = 	snop;
	(pc) =	sbr.rel @!p1 .LBB2_53-.Ltmp35, $2  }
0x23a: {  	_ =	sdelay $0x2  }
0x23b: {  	s23 =	sadd.s32 $0xFFFFFFFF, s21;
	s24 =	simm.s32 $0x10010;
	v5 =	vimm.f32 $0.0e+00;
	v7 =	vmul.f32 $0.0e+00, v6  }
.LBB2_52:
0x23c: {  	v8 =	vld [tilespmem:s24+$0x0];
	p1 =	sne.s32 s23, $0x1;
	s23 =	sadd.s32 $0xFFFFFFFF, s23  }
.Ltmp36:
0x23d: {  	v7 =	vadd.f32 $1.000000000e+00, v7;
	(pc) =	sbr.rel @p1 .LBB2_52-.Ltmp36, $4  }
0x23e: {  	vm0 =	vgt.f32 v6, v3  }
0x23f: {  	v9 =	vnsel vm0, $0x0, v6;
	v7 =	vnsel vm0, $0x0, v7  }
0x240: {  	v4 =	vadd.f32 v9, v4;
	v5 =	vadd.f32 v7, v5  }
0x241: {  	s24 =	sadd.s32 $0x10, s24;
	v7 =	vmul.f32 $0.0e+00, v8;
	v6 =	vmov v8  }
.LBB2_53:
.Ltmp37:
0x242: {  	_ = 	snop;
	(pc) =	sbr.rel .LBB2_54-.Ltmp37, $4  }
0x243: {  	vm0 =	vgt.f32 v6, v3;
	v7 =	vadd.f32 $1.000000000e+00, v7  }
0x244: {  	v6 =	vnsel vm0, $0x0, v6  }
0x245: {  	v4 =	vadd.f32 v6, v4;
	v7 =	vnsel vm0, $0x0, v7  }
0x246: {  	v5 =	vadd.f32 v7, v5  }
.LBB2_55:
0x247: {  	v3 =	vpsel p1, v4, v4  }
.LBB2_43:
0x248: {  	s21 =	simm.s32 $0x40  }
0x249: {  	v5 =	vld [tilespmem:s21+$0x30]  }
0x24a: {  	v7 =	vld [tilespmem:s21+$0xFFFFFFD0]  }
0x24b: {  	v9 =	vld [tilespmem:s21+$0xFFFFFFE0]  }
0x24c: {  	v8 =	vld [tilespmem:s21+$0xFFFFFFF0]  }
0x24d: {  	v6 =	vld [tilespmem:s21+$0x0]  }
0x24e: {  	v4 =	vld [tilespmem:s21+$0x10];
	v11 =	vsub.f32 v5, v3  }
0x24f: {  	v5 =	vld [tilespmem:s21+$0x20];
	v10 =	vsub.f32 v7, v3  }
0x250: {  	s22 =	simm.s32 $0x0;
	s23 =	simm.s32 $0xC0;
	v7 =	vld [tilespmem:s21+$0xFFFFFFC0];
	v9 =	vsub.f32 v9, v3;
	v11 =	vmax.f32 v11, $0.0e+00  }
.LBB2_44:
0x251: {  	v12 =	vld [tilespmem:s23+$0x30];
	s22 =	sadd.s32 $0x8, s22;
	v10 =	vmax.f32 v10, $0.0e+00;
	v8 =	vsub.f32 v8, v3;
	[tilespmem:s21+$0x30] =	vst v11  }
0x252: {  	v11 =	vld [tilespmem:s23+$0xFFFFFFD0];
	p0 =	slt.u32 s22, $0x7F8;
	[tilespmem:s21+$0xFFFFFFD0] =	vst v10;
	v9 =	vmax.f32 v9, $0.0e+00;
	v6 =	vsub.f32 v6, v3  }
0x253: {  	v13 =	vld [tilespmem:s23+$0xFFFFFFE0];
	[tilespmem:s21+$0xFFFFFFE0] =	vst v9;
	v9 =	vmax.f32 v8, $0.0e+00;
	v4 =	vsub.f32 v4, v3  }
.Ltmp38:
0x254: {  	v8 =	vld [tilespmem:s23+$0xFFFFFFF0];
	[tilespmem:s21+$0xFFFFFFF0] =	vst v9;
	v9 =	vmax.f32 v6, $0.0e+00;
	v5 =	vsub.f32 v5, v3;
	(pc) =	sbr.rel @p0 .LBB2_44-.Ltmp38, $4  }
0x255: {  	v6 =	vld [tilespmem:s23+$0x0];
	v7 =	vsub.f32 v7, v3;
	[tilespmem:s21+$0x0] =	vst v9;
	v9 =	vmax.f32 v4, $0.0e+00  }
0x256: {  	v4 =	vld [tilespmem:s23+$0x10];
	v12 =	vsub.f32 v12, v3;
	[tilespmem:s21+$0x10] =	vst v9;
	v9 =	vmax.f32 v5, $0.0e+00  }
0x257: {  	v10 =	vsub.f32 v11, v3;
	v5 =	vld [tilespmem:s23+$0x20];
	v14 =	vmax.f32 v7, $0.0e+00;
	[tilespmem:s21+$0x20] =	vst v9  }
0x258: {  	v7 =	vld [tilespmem:s23+$0xFFFFFFC0];
	v9 =	vsub.f32 v13, v3;
	v11 =	vmax.f32 v12, $0.0e+00;
	[tilespmem:s21+$0xFFFFFFC0] =	vst v14;
	s21 =	smov.u32 s23;
	s23 =	sadd.s32 $0x80, s23  }
0x259: {  	v10 =	vmax.f32 v10, $0.0e+00;
	v8 =	vsub.f32 v8, v3;
	[tilespmem:s21+$0x30] =	vst v11  }
0x25a: {  	[tilespmem:s21+$0xFFFFFFD0] =	vst v10;
	v9 =	vmax.f32 v9, $0.0e+00;
	v6 =	vsub.f32 v6, v3  }
0x25b: {  	[tilespmem:s21+$0xFFFFFFE0] =	vst v9;
	v8 =	vmax.f32 v8, $0.0e+00;
	v4 =	vsub.f32 v4, v3  }
0x25c: {  	[tilespmem:s21+$0xFFFFFFF0] =	vst v8;
	v6 =	vmax.f32 v6, $0.0e+00;
	v5 =	vsub.f32 v5, v3  }
0x25d: {  	v3 =	vsub.f32 v7, v3;
	[tilespmem:s21+$0x0] =	vst v6;
	v4 =	vmax.f32 v4, $0.0e+00  }
0x25e: {  	[tilespmem:s21+$0x10] =	vst v4;
	v4 =	vmax.f32 v5, $0.0e+00  }
0x25f: {  	v3 =	vmax.f32 v3, $0.0e+00;
	[tilespmem:s21+$0x20] =	vst v4  }
0x260: {  	[tilespmem:s21+$0xFFFFFFC0] =	vst v3  }
0x261: {  	[hbm4b:s9+s12] =	stream.strided.scatter [tilespmem:s2], [sflag:$0x3], $0x8000, s13, s12, $0x38;
	[tilespmem:$0x18080] =	vst v63  }
0x262: {  	_ =	swait.ge [sflag:s18], $0x8000  }
0x263: {  	[sflag:s18] =	ssyncset.done $0x0  }
0x264: {  	s31 =	simm.s32 $0x8040;
	[sflag:s18] =	ssyncadd.s32 $0xFFFF8000  }
0x265: {  	v12 =	vld [tilespmem:s31+$0xFFFFFFC0]  }
0x266: {  	v11 =	vld [tilespmem:s31+$0xFFFFFFD0]  }
0x267: {  	v3 =	vld [tilespmem:s31+$0xFFFFFFE0]  }
0x268: {  	v14 =	vld [tilespmem:s31+$0xFFFFFFF0]  }
0x269: {  	v5 =	vimm.f32 $-3.000000010e+38;
	v4 =	vld [tilespmem:s31+$0x0]  }
0x26a: {  	v7 =	vadd.f32 $-1.000000000e+00, v5;
	v15 =	vld [tilespmem:s31+$0x10];
	v5 =	vmax.f32 v5, v12  }
0x26b: {  	v6 =	vld [tilespmem:s31+$0x20];
	v9 =	vmax.f32 v5, v11  }
0x26c: {  	v8 =	vadd.f32 $-1.000000000e+00, v5;
	v5 =	vmax.f32 v9, v3  }
0x26d: {  	vm4 =	vgt.f32 v12, v7;
	v7 =	vmax.f32 v5, v14  }
0x26e: {  	(xrf0) =	vadd.scan.msk.s32 vm4, v0;
	vm7 =	vgt.f32 v11, v8;
	v8 =	vadd.f32 $-1.000000000e+00, v5;
	v10 =	vmax.f32 v7, v4  }
0x26f: {  	(xrf0) =	vadd.scan.msk.s32 vm7, v0;
	v16 =	vadd.f32 $-1.000000000e+00, v10;
	v10 =	vmax.f32 v10, v15  }
0x270: {  	v5 =	vld [tilespmem:s31+$0x30];
	v7 =	vadd.f32 $-1.000000000e+00, v7;
	vm6 =	vgt.f32 v14, v8;
	v17 =	vmax.f32 v10, v6  }
0x271: {  	v8 =	vadd.f32 $-1.000000000e+00, v10;
	vm5 =	vgt.f32 v15, v16;
	v16 =	vadd.f32 $-1.000000000e+00, v17  }
0x272: {  	v9 =	vadd.f32 $-1.000000000e+00, v9;
	(xrf0) =	vadd.scan.msk.s32 vm6, v0  }
0x273: {  	v13 =	vimm.s32 $0xFFFFFFFF;
	v10 =	vmpcnt.ones.xlane vm4;
	vm3 =	vgt.f32 v6, v8;
	(xrf0) =	vadd.scan.msk.s32 vm5, v0  }
0x274: {  	s21 =	simm.s32 $0x80C0;
	vm1 =	vgt.f32 v3, v9;
	vm2 =	vgt.f32 v4, v7;
	v8 =	vmpcnt.ones.xlane vm7;
	v7, _, _ =	vpop (xrf0);
	(xrf0) =	vadd.scan.msk.s32 vm3, v0  }
0x275: {  	v9 =	vadd.s32 v13, v10;
	vm0 =	vgt.f32 v5, v16;
	v20 =	vadd.s32 v13, v7;
	v7 =	vld [tilespmem:s21+$0xFFFFFFC0];
	v16, _, _ =	vpop (xrf0);
	(xrf0) =	vadd.scan.msk.s32 vm1, v0  }
0x276: {  	v10 =	vmpcnt.ones.xlane vm1;
	v16 =	vadd.s32 v9, v16;
	(xrf0) =	vadd.scan.msk.s32 vm0, v0  }
0x277: {  	v17 =	vmax.f32 v17, v5;
	v19 =	vadd.s32 v9, v8;
	v8 =	vmpcnt.ones.xlane vm6;
	(xrf0) =	vadd.scan.msk.s32 vm2, v0  }
0x278: {  	v13 =	vmpcnt.ones.xlane vm5;
	v10 =	vadd.s32 v19, v10;
	v9 =	vmpcnt.ones.xlane vm2;
	v18, _, _ =	vpop (xrf0)  }
0x279: {  	v24 =	vmpcnt.ones.xlane vm0;
	v21 =	vadd.s32 v10, v8;
	v8 =	vld [tilespmem:s21+$0xFFFFFFD0];
	v22 =	vadd.s32 v10, v18;
	v23, _, _ =	vpop (xrf0)  }
0x27a: {  	v18 =	vmpcnt.ones.xlane vm3;
	v10 =	vld [tilespmem:s21+$0xFFFFFFE0];
	v9 =	vadd.s32 v21, v9;
	[tilespmem:v20+s16+$0x0] =	vst.idx.msk vm4, v12;
	v63 =	vmax.f32 v17, v7;
	v25, _, _ =	vpop (xrf0)  }
0x27b: {  	v20 =	vadd.f32 $-1.000000000e+00, v17;
	v23 =	vadd.s32 v9, v23;
	v13 =	vadd.s32 v9, v13;
	v9 =	vld [tilespmem:s21+$0xFFFFFFF0];
	[tilespmem:v16+s16+$0x0] =	vst.idx.msk vm7, v11;
	v11, _, _ =	vpop (xrf0)  }
0x27c: {  	v26 =	vadd.s32 v13, v18;
	v18 =	vadd.s32 v13, v25;
	v13 =	vld [tilespmem:s21+$0x0];
	v16 =	vadd.s32 v19, v11;
	v19, _, _ =	vpop (xrf0)  }
0x27d: {  	v12 =	vld [tilespmem:s21+$0x10];
	vm4 =	vgt.f32 v7, v20;
	v11 =	vadd.s32 v26, v24;
	v17 =	vadd.s32 v26, v19;
	v19, _, _ =	vpop (xrf0)  }
0x27e: {  	[tilespmem:v22+s16+$0x0] =	vst.idx.msk vm6, v14;
	v22 =	vadd.f32 $-1.000000000e+00, v63;
	v24 =	vmax.f32 v63, v8;
	v14 =	vld [tilespmem:s21+$0x20];
	v19 =	vadd.s32 v21, v19  }
0x27f: {  	(xrf0) =	vadd.scan.msk.s32 vm4, v0;
	v20 =	vadd.f32 $-1.000000000e+00, v24;
	v21 =	vmax.f32 v24, v10  }
0x280: {  	s22 =	simm.s32 $0x8;
	[tilespmem:v23+s16+$0x0] =	vst.idx.msk vm5, v15;
	vm5 =	vgt.f32 v8, v22;
	v15 =	vld [tilespmem:s21+$0x30];
	v22 =	vadd.f32 $-1.000000000e+00, v21;
	v21 =	vmax.f32 v21, v9  }
.LBB2_46:
0x281: {  	s22 =	sadd.s32 $0x8, s22;
	v23 =	vmpcnt.ones.xlane vm4;
	v24 =	vmax.f32 v21, v13;
	(xrf0) =	vadd.scan.msk.s32 vm5, v0;
	[tilespmem:v18+s16+$0x0] =	vst.idx.msk vm3, v6  }
0x282: {  	p0 =	slt.u32 s22, $0x7F8;
	vm7 =	vgt.f32 v9, v22;
	v6 =	vadd.f32 $-1.000000000e+00, v24;
	v18 =	vmax.f32 v24, v12;
	[tilespmem:v16+s16+$0x0] =	vst.idx.msk vm1, v3  }
0x283: {  	v3 =	vmovc v10;
	v16 =	vadd.f32 $-1.000000000e+00, v18;
	v18 =	vmax.f32 v18, v14;
	(xrf0) =	vadd.scan.msk.s32 vm7, v0;
	[tilespmem:v19+s16+$0x0] =	vst.idx.msk vm2, v4  }
0x284: {  	v10 =	vadd.f32 $-1.000000000e+00, v21;
	v4 =	vmovc v13;
	vm6 =	vgt.f32 v12, v6;
	v19 =	vadd.f32 $-1.000000000e+00, v18;
	[tilespmem:v17+s16+$0x0] =	vst.idx.msk vm0, v5  }
0x285: {  	vm1 =	vgt.f32 v3, v20;
	vm3 =	vgt.f32 v14, v16;
	v17 =	vmax.f32 v18, v15;
	(xrf0) =	vadd.scan.msk.s32 vm6, v0  }
0x286: {  	v5 =	vmpcnt.ones.xlane vm5;
	vm2 =	vgt.f32 v4, v10;
	vm0 =	vgt.f32 v15, v19;
	v6, _, _ =	vpop (xrf0);
	(xrf0) =	vadd.scan.msk.s32 vm3, v0  }
0x287: {  	v10 =	vadd.s32 v11, v23;
	v13 =	vmpcnt.ones.xlane vm1;
	v16 =	vmpcnt.ones.xlane vm2;
	v18, _, _ =	vpop (xrf0);
	(xrf0) =	vadd.scan.msk.s32 vm1, v0  }
0x288: {  	v21 =	vmovc v12;
	v24 =	vmpcnt.ones.xlane vm7;
	v19 =	vadd.s32 v10, v5;
	v18 =	vadd.s32 v10, v18;
	(xrf0) =	vadd.scan.msk.s32 vm0, v0  }
0x289: {  	s21 =	sadd.s32 $0x80, s21;
	v11 =	vadd.s32 v11, v6;
	v6 =	vmov v14;
	v10 =	vadd.s32 v19, v13;
	v12, _, _ =	vpop (xrf0);
	(xrf0) =	vadd.scan.msk.s32 vm2, v0  }
0x28a: {  	v27 =	vmpcnt.ones.xlane vm6;
	v5 =	vmovc v15;
	v22 =	vadd.s32 v10, v24;
	v20 =	vld [tilespmem:s21+$0xFFFFFFC0];
	v14 =	vadd.s32 v10, v12  }
0x28b: {  	v25 =	vadd.s32 v22, v16;
	v16 =	vmpcnt.ones.xlane vm3;
	v15 =	vld [tilespmem:s21+$0xFFFFFFD0];
	v23, _, _ =	vpop (xrf0)  }
0x28c: {  	v24 =	vmpcnt.ones.xlane vm0;
	v26 =	vadd.s32 v25, v27;
	v10 =	vld [tilespmem:s21+$0xFFFFFFE0];
	v23 =	vadd.s32 v25, v23;
	v13, _, _ =	vpop (xrf0)  }
0x28d: {  	v25 =	vld [tilespmem:s21+$0xFFFFFFF0];
	[tilespmem:v18+s16+$0x0] =	vst.idx.msk vm5, v8;
	v18 =	vadd.s32 v26, v13;
	v8 =	vadd.s32 v26, v16;
	v12, _, _ =	vpop (xrf0)  }
.Ltmp39:
0x28e: {  	v13 =	vld [tilespmem:s21+$0x0];
	[tilespmem:v11+s16+$0x0] =	vst.idx.msk vm4, v7;
	v16 =	vadd.s32 v19, v12;
	v11 =	vadd.s32 v8, v24;
	v7, _, _ =	vpop (xrf0);
	(pc) =	sbr.rel @p0 .LBB2_46-.Ltmp39, $4  }
0x28f: {  	v24 =	vadd.f32 $-1.000000000e+00, v17;
	v19 =	vmax.f32 v17, v20;
	v12 =	vld [tilespmem:s21+$0x10];
	[tilespmem:v14+s16+$0x0] =	vst.idx.msk vm7, v9;
	v17 =	vadd.s32 v8, v7;
	v7, _, _ =	vpop (xrf0)  }
0x290: {  	v27 =	vadd.f32 $-1.000000000e+00, v19;
	v26 =	vmax.f32 v19, v15;
	v14 =	vld [tilespmem:s21+$0x20];
	v19 =	vadd.s32 v22, v7;
	v7 =	vmovc v20;
	v8 =	vmovc v15  }
0x291: {  	vm4 =	vgt.f32 v7, v24;
	v20 =	vadd.f32 $-1.000000000e+00, v26;
	v15 =	vmax.f32 v26, v10;
	[tilespmem:v23+s16+$0x0] =	vst.idx.msk vm6, v21  }
0x292: {  	vm5 =	vgt.f32 v8, v27;
	v22 =	vadd.f32 $-1.000000000e+00, v15;
	v21 =	vmax.f32 v15, v25;
	v15 =	vld [tilespmem:s21+$0x30];
	(xrf0) =	vadd.scan.msk.s32 vm4, v0;
	v9 =	vmovc v25  }
0x293: {  	v23 =	vmax.f32 v21, v13  }
0x294: {  	v24 =	vmpcnt.ones.xlane vm4;
	v52 =	vadd.f32 $-1.000000000e+00, v21;
	vm6 =	vgt.f32 v10, v20  }
0x295: {  	v53 =	vmpcnt.ones.xlane vm5;
	vm7 =	vgt.f32 v9, v22;
	v51 =	vmax.f32 v23, v12  }
0x296: {  	v23 =	vadd.f32 $-1.000000000e+00, v23;
	v55 =	vmpcnt.ones.xlane vm6;
	v25 =	vadd.f32 $-1.000000000e+00, v51  }
0x297: {  	v22 =	vmax.f32 v51, v14;
	v54 =	vadd.s32 v11, v24;
	vm8 =	vgt.f32 v13, v52  }
0x298: {  	(xrf0) =	vadd.scan.msk.s32 vm5, v0;
	v56 =	vmpcnt.ones.xlane vm7;
	vm9 =	vgt.f32 v12, v23;
	v20 =	vadd.s32 v54, v53  }
0x299: {  	(xrf0) =	vadd.scan.msk.s32 vm7, v0;
	v26 =	vadd.f32 $-1.000000000e+00, v22;
	v27 =	vmpcnt.ones.xlane vm8;
	v24 =	vadd.s32 v20, v55  }
0x29a: {  	vm11 =	vgt.f32 v14, v25;
	(xrf0) =	vadd.scan.msk.s32 vm9, v0;
	v57 =	vmpcnt.ones.xlane vm9;
	v21 =	vadd.s32 v24, v56  }
0x29b: {  	vm10 =	vgt.f32 v15, v26;
	(xrf0) =	vadd.scan.msk.s32 vm11, v0;
	v59 =	vmpcnt.ones.xlane vm11;
	v58 =	vadd.s32 v21, v27  }
0x29c: {  	(xrf0) =	vadd.scan.msk.s32 vm6, v0;
	v28 =	vmpcnt.ones.xlane vm10;
	v25 =	vadd.s32 v58, v57  }
0x29d: {  	v29, _, _ =	vpop (xrf0);
	(xrf0) =	vadd.scan.msk.s32 vm10, v0;
	v27 =	vadd.s32 v25, v59  }
0x29e: {  	v22 =	vmax.f32 v22, v15;
	v30, _, _ =	vpop (xrf0);
	(xrf0) =	vadd.scan.msk.s32 vm8, v0;
	v28 =	vadd.s32 v27, v28  }
0x29f: {  	v31, _, _ =	vpop (xrf0);
	(xrf0) =	vmax.scan.msk.f32 $0xffff, v22;
	v60 =	vxor.u32 $0x80000000, v28  }
0x2a0: {  	v32, _, _ =	vpop (xrf0);
	(xrf0) =	vmax.scan.msk.u32 $0xffff, v60  }
0x2a1: {  	v61, _, _ =	vpop (xrf0)  }
0x2a2: {  	v33, _, _ =	vpop (xrf0)  }
0x2a3: {  	v34, _, _ =	vpop (xrf0)  }
0x2a4: {  	v35, _, _ =	vpop (xrf0)  }
0x2a5: {  	v36, _, _ =	vpop (xrf0)  }
0x2a6: {  	v37, _, _ =	vpop (xrf0)  }
0x2a7: {  	(v2sf) =	vpush v37, $0xF;
	_ =	sdelay $0x9  }
0x2a8: {  	[tilespmem:v18+s16+$0x0] =	vst.idx.msk vm3, v6;
	v6 =	vadd.s32 v11, v29  }
0x2a9: {  	[tilespmem:v16+s16+$0x0] =	vst.idx.msk vm1, v3;
	v3 =	vadd.s32 v24, v31  }
0x2aa: {  	v23 =	vadd.s32 v54, v30  }
0x2ab: {  	[tilespmem:v19+s16+$0x0] =	vst.idx.msk vm2, v4;
	v4 =	vadd.s32 v58, v32  }
0x2ac: {  	[tilespmem:v17+s16+$0x0] =	vst.idx.msk vm0, v5;
	v5 =	vadd.s32 v25, v61  }
0x2ad: {  	[tilespmem:v6+s16+$0x0] =	vst.idx.msk vm4, v7;
	v62 =	vadd.s32 v20, v33;
	s21 =	spop (v2sf)  }
0x2ae: {  	[tilespmem:v3+s16+$0x0] =	vst.idx.msk vm7, v9;
	v3 =	vadd.s32 v27, v34;
	s21 =	sadd.s32 $0x80000010, s21  }
0x2af: {  	[tilespmem:v23+s16+$0x0] =	vst.idx.msk vm5, v8;
	v6 =	vadd.s32 v21, v35;
	v7 =	vadd.f32 $-1.000000000e+00, v36;
	s21 =	sshrl.u32 s21, $0x4  }
0x2b0: {  	v63 =	vadd.s32 v1, v28;
	[tilespmem:v4+s16+$0x0] =	vst.idx.msk vm9, v12;
	p0 =	seq.s32 s21, $0x0  }
.Ltmp40:
0x2b1: {  	[tilespmem:v5+s16+$0x0] =	vst.idx.msk vm11, v14;
	v4 =	vbroadcast v7, $0xF;
	(pc) =	sbr.rel @p0 .LBB2_48-.Ltmp40, $4  }
0x2b2: {  	[tilespmem:v62+s16+$0x0] =	vst.idx.msk vm6, v10  }
0x2b3: {  	[tilespmem:v3+s16+$0x0] =	vst.idx.msk vm10, v15;
	v5 =	vadd.f32 $-1.000000000e+00, v4  }
0x2b4: {  	s22 =	simm.s32 $0x10000;
	[tilespmem:v6+s16+$0x0] =	vst.idx.msk vm8, v13  }
0x2b5: {  	v3 =	vimm.f32 $0.0e+00;
	[tilespmem:v63+s22+$0x0] =	vst.idx.msk $0xffff, v5  }
0x2b6: {  	v6 =	vld [tilespmem:s22+$0x0];
	p1 =	sne.s32 s21, $0x1  }
.Ltmp41:
0x2b7: {  	_ = 	snop;
	(pc) =	sbr.rel @!p1 .LBB2_58-.Ltmp41, $2  }
0x2b8: {  	_ =	sdelay $0x2  }
0x2b9: {  	s22 =	sadd.s32 $0xFFFFFFFF, s21;
	s23 =	simm.s32 $0x10010;
	v5 =	vimm.f32 $0.0e+00;
	v7 =	vmul.f32 $0.0e+00, v6  }
.LBB2_57:
0x2ba: {  	v8 =	vld [tilespmem:s23+$0x0];
	p1 =	sne.s32 s22, $0x1;
	s22 =	sadd.s32 $0xFFFFFFFF, s22  }
.Ltmp42:
0x2bb: {  	v7 =	vadd.f32 $1.000000000e+00, v7;
	(pc) =	sbr.rel @p1 .LBB2_57-.Ltmp42, $4  }
0x2bc: {  	vm0 =	vgt.f32 v6, v4  }
0x2bd: {  	v9 =	vnsel vm0, $0x0, v6;
	v7 =	vnsel vm0, $0x0, v7  }
0x2be: {  	v3 =	vadd.f32 v9, v3;
	v5 =	vadd.f32 v7, v5  }
0x2bf: {  	s23 =	sadd.s32 $0x10, s23;
	v7 =	vmul.f32 $0.0e+00, v8;
	v6 =	vmov v8  }
.LBB2_58:
.Ltmp43:
0x2c0: {  	_ = 	snop;
	(pc) =	sbr.rel .LBB2_59-.Ltmp43, $4  }
0x2c1: {  	v7 =	vadd.f32 $1.000000000e+00, v7  }
0x2c2: {  	vm0 =	vgt.f32 v6, v4  }
0x2c3: {  	v6 =	vnsel vm0, $0x0, v6;
	v7 =	vnsel vm0, $0x0, v7  }
0x2c4: {  	v3 =	vadd.f32 v6, v3;
	v5 =	vadd.f32 v7, v5  }
.LBB2_48:
0x2c5: {  	v5 =	vimm.f32 $0.0e+00  }
.LBB2_59:
0x2c6: {  	_ = 	snop  }
0x2c7: {  	(xrf2) =	vadd.scan.msk.f32 $0xffff, v3  }
0x2c8: {  	(xrf2) =	vadd.scan.msk.f32 $0xffff, v5;
	_ =	sdelay $0x8  }
0x2c9: {  	v3, _, _ =	vpop (xrf2)  }
0x2ca: {  	v5, _, _ =	vpop (xrf2)  }
0x2cb: {  	v5 =	vmax.f32 v5, $1.000000000e+00  }
0x2cc: {  	v5 =	vbroadcast v5, $0xF;
	_ =	sdelay $0x1  }
0x2cd: {  	(erf) = vrcp.f32 v5;
	_ =	sdelay $0x5  }
0x2ce: {  	v3 =	vadd.f32 $-1.000000000e+00, v3;
	_ =	sdelay $0x1  }
0x2cf: {  	v3 =	vbroadcast v3, $0xF  }
0x2d0: {  	v5 =	vpop (erf)  }
0x2d1: {  	v3 =	vmul.f32 v5, v3;
	_ =	sdelay $0x1  }
0x2d2: {  	vm0 =	vlt.f32 v3, v4;
	vm1 =	vgt.f32 v3, v4  }
0x2d3: {  	vm0 =	vmor vm1, vm0  }
0x2d4: {  	v4 =	vsel vm0, $0x3F800000, v2  }
0x2d5: {  	(xrf0) =	vmax.scan.msk.f32 $0xffff, v4;
	_ =	sdelay $0x5  }
0x2d6: {  	v4, _, _ =	vpop (xrf0)  }
0x2d7: {  	(v2sf) =	vpush v4, $0xF;
	_ =	sdelay $0xe  }
0x2d8: {  	s22 =	spop (v2sf)  }
0x2d9: {  	p1 =	sgt.f32 s22, $0.0e+00  }
.Ltmp44:
0x2da: {  	_ = 	snop;
	(pc) =	sbr.rel @p1 .LBB2_64-.Ltmp44, $4  }
.Ltmp45:
0x2db: {  	_ = 	snop;
	(pc) =	sbr.rel @!p1 .LBB2_60-.Ltmp45, $4  }
0x2dc: {  	_ = 	snop  }
0x2dd: {  	_ = 	snop  }
0x2de: {  	s22 =	simm.s32 $0x0  }
0x2df: {  	_ = 	snop  }
.LBB2_65:
0x2e0: {  	v5 =	vimm.f32 $0.0e+00  }
.LBB2_69:
0x2e1: {  	(xrf2) =	vadd.scan.msk.f32 $0xffff, v4  }
0x2e2: {  	(xrf2) =	vadd.scan.msk.f32 $0xffff, v5;
	_ =	sdelay $0x8  }
0x2e3: {  	v4, _, _ =	vpop (xrf2)  }
0x2e4: {  	v5, _, _ =	vpop (xrf2)  }
0x2e5: {  	v5 =	vmax.f32 v5, $1.000000000e+00  }
0x2e6: {  	v5 =	vbroadcast v5, $0xF;
	_ =	sdelay $0x1  }
0x2e7: {  	(erf) = vrcp.f32 v5;
	_ =	sdelay $0x5  }
0x2e8: {  	v4 =	vadd.f32 $-1.000000000e+00, v4;
	_ =	sdelay $0x1  }
0x2e9: {  	v4 =	vbroadcast v4, $0xF  }
0x2ea: {  	v5 =	vpop (erf)  }
0x2eb: {  	v4 =	vmul.f32 v5, v4;
	_ =	sdelay $0x1  }
0x2ec: {  	vm0 =	vlt.f32 v4, v3;
	vm1 =	vgt.f32 v4, v3  }
0x2ed: {  	vm0 =	vmor vm1, vm0  }
0x2ee: {  	v3 =	vsel vm0, $0x3F800000, v2  }
0x2ef: {  	(xrf0) =	vmax.scan.msk.f32 $0xffff, v3;
	_ =	sdelay $0x5  }
0x2f0: {  	v3, _, _ =	vpop (xrf0)  }
0x2f1: {  	(v2sf) =	vpush v3, $0xF;
	_ =	sdelay $0xe  }
0x2f2: {  	p1 =	sgt.u32 s22, $0x1E;
	s23 =	spop (v2sf)  }
0x2f3: {  	p2 =	sgt.f32 @!p1 s23, $0.0e+00;
	_ =	sdelay $0x1  }
0x2f4: {  	p2 =	por p1, !p2  }
.Ltmp46:
0x2f5: {  	_ = 	snop;
	(pc) =	sbr.rel @p2 .LBB2_70-.Ltmp46, $2  }
0x2f6: {  	_ =	sdelay $0x2  }
0x2f7: {  	s22 =	sadd.s32 $0x1, s22;
	v3 =	vmov v4  }
.LBB2_64:
.Ltmp47:
0x2f8: {  	(pc) =	sbr.rel @p0 .LBB2_65-.Ltmp47, $2  }
0x2f9: {  	_ =	sdelay $0x2  }
0x2fa: {  	s23 =	simm.s32 $0x10000;
	v4 =	vimm.f32 $0.0e+00  }
0x2fb: {  	v6 =	vld [tilespmem:s23+$0x0];
	p1 =	sne.s32 s21, $0x1  }
.Ltmp48:
0x2fc: {  	_ = 	snop;
	(pc) =	sbr.rel @!p1 .LBB2_68-.Ltmp48, $2  }
0x2fd: {  	_ =	sdelay $0x2  }
0x2fe: {  	s23 =	sadd.s32 $0xFFFFFFFF, s21;
	s24 =	simm.s32 $0x10010;
	v5 =	vimm.f32 $0.0e+00;
	v7 =	vmul.f32 $0.0e+00, v6  }
.LBB2_67:
0x2ff: {  	v8 =	vld [tilespmem:s24+$0x0];
	p1 =	sne.s32 s23, $0x1;
	s23 =	sadd.s32 $0xFFFFFFFF, s23  }
.Ltmp49:
0x300: {  	v7 =	vadd.f32 $1.000000000e+00, v7;
	(pc) =	sbr.rel @p1 .LBB2_67-.Ltmp49, $4  }
0x301: {  	vm0 =	vgt.f32 v6, v3  }
0x302: {  	v9 =	vnsel vm0, $0x0, v6;
	v7 =	vnsel vm0, $0x0, v7  }
0x303: {  	v4 =	vadd.f32 v9, v4;
	v5 =	vadd.f32 v7, v5  }
0x304: {  	s24 =	sadd.s32 $0x10, s24;
	v7 =	vmul.f32 $0.0e+00, v8;
	v6 =	vmov v8  }
.LBB2_68:
.Ltmp50:
0x305: {  	_ = 	snop;
	(pc) =	sbr.rel .LBB2_69-.Ltmp50, $4  }
0x306: {  	vm0 =	vgt.f32 v6, v3;
	v7 =	vadd.f32 $1.000000000e+00, v7  }
0x307: {  	v6 =	vnsel vm0, $0x0, v6  }
0x308: {  	v4 =	vadd.f32 v6, v4;
	v7 =	vnsel vm0, $0x0, v7  }
0x309: {  	v5 =	vadd.f32 v7, v5  }
.LBB2_70:
0x30a: {  	v3 =	vpsel p1, v4, v4  }
.LBB2_60:
0x30b: {  	s21 =	simm.s32 $0x8040  }
0x30c: {  	v5 =	vld [tilespmem:s21+$0x30]  }
0x30d: {  	v7 =	vld [tilespmem:s21+$0xFFFFFFD0]  }
0x30e: {  	v9 =	vld [tilespmem:s21+$0xFFFFFFE0]  }
0x30f: {  	v8 =	vld [tilespmem:s21+$0xFFFFFFF0]  }
0x310: {  	v6 =	vld [tilespmem:s21+$0x0]  }
0x311: {  	v4 =	vld [tilespmem:s21+$0x10];
	v11 =	vsub.f32 v5, v3  }
0x312: {  	v5 =	vld [tilespmem:s21+$0x20];
	v10 =	vsub.f32 v7, v3  }
0x313: {  	s22 =	simm.s32 $0x0;
	s23 =	simm.s32 $0x80C0;
	v7 =	vld [tilespmem:s21+$0xFFFFFFC0];
	v9 =	vsub.f32 v9, v3;
	v11 =	vmax.f32 v11, $0.0e+00  }
.LBB2_61:
0x314: {  	v12 =	vld [tilespmem:s23+$0x30];
	s22 =	sadd.s32 $0x8, s22;
	v10 =	vmax.f32 v10, $0.0e+00;
	v8 =	vsub.f32 v8, v3;
	[tilespmem:s21+$0x30] =	vst v11  }
0x315: {  	v11 =	vld [tilespmem:s23+$0xFFFFFFD0];
	p0 =	slt.u32 s22, $0x7F8;
	[tilespmem:s21+$0xFFFFFFD0] =	vst v10;
	v9 =	vmax.f32 v9, $0.0e+00;
	v6 =	vsub.f32 v6, v3  }
0x316: {  	v13 =	vld [tilespmem:s23+$0xFFFFFFE0];
	[tilespmem:s21+$0xFFFFFFE0] =	vst v9;
	v9 =	vmax.f32 v8, $0.0e+00;
	v4 =	vsub.f32 v4, v3  }
.Ltmp51:
0x317: {  	v8 =	vld [tilespmem:s23+$0xFFFFFFF0];
	[tilespmem:s21+$0xFFFFFFF0] =	vst v9;
	v9 =	vmax.f32 v6, $0.0e+00;
	v5 =	vsub.f32 v5, v3;
	(pc) =	sbr.rel @p0 .LBB2_61-.Ltmp51, $4  }
0x318: {  	v6 =	vld [tilespmem:s23+$0x0];
	v7 =	vsub.f32 v7, v3;
	[tilespmem:s21+$0x0] =	vst v9;
	v9 =	vmax.f32 v4, $0.0e+00  }
0x319: {  	v4 =	vld [tilespmem:s23+$0x10];
	v12 =	vsub.f32 v12, v3;
	[tilespmem:s21+$0x10] =	vst v9;
	v9 =	vmax.f32 v5, $0.0e+00  }
0x31a: {  	v10 =	vsub.f32 v11, v3;
	v5 =	vld [tilespmem:s23+$0x20];
	v14 =	vmax.f32 v7, $0.0e+00;
	[tilespmem:s21+$0x20] =	vst v9  }
0x31b: {  	v7 =	vld [tilespmem:s23+$0xFFFFFFC0];
	v9 =	vsub.f32 v13, v3;
	v11 =	vmax.f32 v12, $0.0e+00;
	[tilespmem:s21+$0xFFFFFFC0] =	vst v14;
	s21 =	smov.u32 s23;
	s23 =	sadd.s32 $0x80, s23  }
0x31c: {  	v10 =	vmax.f32 v10, $0.0e+00;
	v8 =	vsub.f32 v8, v3;
	[tilespmem:s21+$0x30] =	vst v11  }
0x31d: {  	[tilespmem:s21+$0xFFFFFFD0] =	vst v10;
	v9 =	vmax.f32 v9, $0.0e+00;
	v6 =	vsub.f32 v6, v3  }
0x31e: {  	[tilespmem:s21+$0xFFFFFFE0] =	vst v9;
	v8 =	vmax.f32 v8, $0.0e+00;
	v4 =	vsub.f32 v4, v3  }
0x31f: {  	[tilespmem:s21+$0xFFFFFFF0] =	vst v8;
	v6 =	vmax.f32 v6, $0.0e+00;
	v5 =	vsub.f32 v5, v3  }
0x320: {  	v3 =	vsub.f32 v7, v3;
	[tilespmem:s21+$0x0] =	vst v6;
	v4 =	vmax.f32 v4, $0.0e+00  }
0x321: {  	[tilespmem:s21+$0x10] =	vst v4;
	v63 =	vmax.f32 v5, $0.0e+00  }
0x322: {  	v3 =	vmax.f32 v3, $0.0e+00;
	[tilespmem:s21+$0x20] =	vst v63  }
0x323: {  	s20 =	sadd.s32 $0x1, s20;
	[tilespmem:s21+$0xFFFFFFC0] =	vst v3  }
0x324: {  	[hbm4b:s10+s12] =	stream.strided.scatter [tilespmem:s14], [sflag:$0x4], $0x8000, s13, s12, $0x38;
	[tilespmem:$0x18080] =	vst v63  }
0x325: {  	p0 =	sne.s32 s20, s11;
	_ =	swait.ge [sflag:s17], $0x8000  }
.Ltmp52:
0x326: {  	[sflag:s17] =	ssyncset.done $0x0;
	(pc) =	sbr.rel @p0 .LBB2_1-.Ltmp52, $4  }
0x327: {  	[sflag:s17] =	ssyncadd.s32 $0xFFFF8000  }
0x328: {  	_ =	swait.ge [sflag:s19], $0x8000  }
0x329: {  	[sflag:s19] =	ssyncset.done $0x0  }
0x32a: {  	[sflag:s19] =	ssyncadd.s32 $0xFFFF8000  }
0x32b: {  	_ =	sfence.sel $0x180000  }
0x32c: {  	[bflag:$0x0] =	sbarrier.arrive $0xFFFF  }
0x32d: {  	p0 =	sne.s32 s1, $0x0;
	_ =	strace $0x90000047  }
0x32e: {  	s0 =	sadd.s32 @!p0 $0x100000, s0;
	[bflag:$0x2] =	sbarrier.arrive $0xFFFF  }
0x32f: {  	[sflag:s0] =	ssyncadd.tile.s32 @!p0 $0x1;
	_ =	shalt  }
.Lfunc_end2:
_tile_overlayer_lowered:
.L_overlay_start_2:
0x330: {  	(tag) =	ssettag $0x2  }
0x331: {  	s0 =	rddreg [dreg:$0x0];
	s2 =	stileid.u32  }
0x332: {  	s1 =	rddreg [dreg:$0x1];
	p0 =	sne.s32 s2, $0x0  }
0x333: {  	s3 =	rddreg [dreg:$0x2];
	[bflag:$0x3] =	sbarrier.arrive $0xFFFF;
	s2 =	simm.s32 @!p0 $0x1C05  }
0x334: {  	[timem:s3], [sflag:s2] =	dma.local @!p0 [hbm:s0], s1  }
0x335: {  	s0 =	simm.s32 @!p0 $0x5  }
0x336: {  	_ =	swait.ge @!p0 [sflag:s0], s1  }
0x337: {  	s1 =	ssub.s32 @!p0 $0x0, s1;
	[sflag:s0] =	ssyncset.done @!p0 $0x0  }
0x338: {  	[sflag:s0] =	ssyncadd.s32 @!p0 s1  }
0x339: {  	[bflag:$0x3] =	sbarrier.arrive $0xFFFF  }
0x33a: {  	_ =	shalt  }

</sc_bundles>
